<compile_context>
chip_gen: v7x
topology: tpu7x:2x2x1
jax: 0.10.2.dev20260603
libtpu: 0.0.44.dev20260713+nightly
codegen_flags: <defaults>
</compile_context>

<pallas_src>
import functools
import math

import jax
import jax.numpy as jnp
from jax import lax
from jax.experimental import pallas as pl
from jax.experimental.pallas import tpu as pltpu
from jax.experimental.pallas import tpu_sc as plsc

D_MODEL_DIM = 64
SCALE = math.sqrt(D_MODEL_DIM)

NC = 2
NS = 16
NW = NC * NS

SEQ = 200
IDX_PER_DMA = 100
DMAS_PER_CHUNK = SEQ // IDX_PER_DMA
NBUF = 4
LOOKAHEAD = 2


def _make_lookup(n_rows):
    rows_per_w = n_rows // NW
    n_chunks = rows_per_w
    n_super = n_chunks // NBUF
    idx_rows_per_w = rows_per_w * DMAS_PER_CHUNK

    mesh = plsc.VectorSubcoreMesh(core_axis_name="c", subcore_axis_name="s")

    @functools.partial(
        pl.kernel,
        mesh=mesh,
        out_type=jax.ShapeDtypeStruct((n_rows, SEQ, D_MODEL_DIM), jnp.float32),
        compiler_params=pltpu.CompilerParams(use_tc_tiling_on_sc=False),
        scratch_types=[
            pltpu.VMEM((idx_rows_per_w, IDX_PER_DMA), jnp.int32),
            pltpu.VMEM((NBUF, 1, SEQ, D_MODEL_DIM), jnp.float32),
        ]
        + [pltpu.SemaphoreType.DMA] * NBUF
        + [pltpu.SemaphoreType.DMA] * NBUF,
    )
    def lookup(x_hbm, table_hbm, out_hbm, idx_v, rows_v, *sems):
        gsems = sems[:NBUF]
        wsems = sems[NBUF:]
        wid = lax.axis_index("s") * NC + lax.axis_index("c")
        xbase = wid * rows_per_w

        pltpu.sync_copy(x_hbm.at[pl.ds(wid * idx_rows_per_w, idx_rows_per_w)],
                        idx_v)

        def fire_gather(c, b):
            for j in range(DMAS_PER_CHUNK):
                pltpu.async_copy(
                    table_hbm.at[idx_v.at[c * DMAS_PER_CHUNK + j]],
                    rows_v.at[b, 0, pl.ds(j * IDX_PER_DMA, IDX_PER_DMA)],
                    gsems[b],
                )

        def drain_gather(b):
            pltpu.make_async_copy(table_hbm.at[pl.ds(0, SEQ)],
                                  rows_v.at[b, 0], gsems[b]).wait()

        def drain_write(b):
            pltpu.make_async_copy(rows_v.at[b], out_hbm.at[pl.ds(0, 1)],
                                  wsems[b]).wait()

        for c0 in range(LOOKAHEAD):
            fire_gather(c0, c0 % NBUF)

        @pl.loop(0, n_super)
        def super_step(s):
            c_base = s * NBUF
            for b0 in range(NBUF):
                c = c_base + b0
                b = b0
                bn = (b0 + LOOKAHEAD) % NBUF
                @pl.when(c + LOOKAHEAD < n_chunks)
                def _():
                    @pl.when(c >= NBUF - LOOKAHEAD)
                    def _():
                        drain_write(bn)
                    fire_gather(c + LOOKAHEAD, bn)

                drain_gather(b)

                @plsc.parallel_loop(0, SEQ, unroll=4)
                def row_body(r):
                    for dd in range(D_MODEL_DIM // 16):
                        sl = pl.ds(dd * 16, 16)
                        rows_v[b, 0, r, sl] = rows_v[b, 0, r, sl] * SCALE

                pltpu.async_copy(rows_v.at[b],
                                 out_hbm.at[pl.ds(xbase + c, 1)],
                                 wsems[b])

        for ct in range(n_chunks - NBUF, n_chunks):
            drain_write(ct % NBUF)

    return lookup


def kernel(x, table):
    n_rows = x.shape[0]
    xf = x.reshape(n_rows * DMAS_PER_CHUNK, IDX_PER_DMA).astype(jnp.int32)
    return _make_lookup(n_rows)(xf, table)

# --- scband reference (transcript-rebuilt; emitter-appended) ---
"""Pipeline reference for scband-embeddings-83176336654679 (READ-ONLY COPY).

The authoritative reference and input builder live on the scoring server;
editing this copy changes nothing except your own understanding.
"""

import jax, jax.numpy as jnp
import numpy as np
import math

D_MODEL = 64
VOCAB = 1000000

def setup_inputs(seed: int = 0) -> dict:
    key = jax.random.key(seed)
    k1, k2 = jax.random.split(key)
    x = jax.random.randint(k1, (4096, 200), 0, VOCAB, dtype=jnp.int64 if jax.config.jax_enable_x64 else jnp.int32)
    table = jax.random.normal(k2, (VOCAB, D_MODEL), dtype=jnp.float32)
    return {"x": x, "table": table}

def reference(x, table):
    # Embeddings.forward: self.embedding(x) * sqrt(d_model)
    out = jnp.take(table, x, axis=0) * math.sqrt(D_MODEL)
    return out

if __name__ == "__main__":
    import jax
    _d = setup_inputs()
    print(jax.jit(kernel)(*tuple(_d.values())))

</pallas_src>

<mosaic_0001>
#map = affine_map<(d0, d1) -> (0, 0)>
#map1 = affine_map<(d0, d1) -> (0, 0, 0)>
module attributes {stable_mosaic.version = 14 : i64} {
  func.func @lookup(%arg0: i32, %arg1: i32, %arg2: memref<8192x100xi32, #tpu.memory_space<hbm>>, %arg3: memref<1000000x64xf32, #tpu.memory_space<hbm>>, %arg4: memref<4096x200x64xf32, #tpu.memory_space<hbm>>, %arg5: memref<256x100xi32, #tpu.memory_space<vmem>>, %arg6: memref<4x1x200x64xf32, #tpu.memory_space<vmem>>, %arg7: memref<!tpu.dma_semaphore, #tpu.memory_space<semaphore_mem>>, %arg8: memref<!tpu.dma_semaphore, #tpu.memory_space<semaphore_mem>>, %arg9: memref<!tpu.dma_semaphore, #tpu.memory_space<semaphore_mem>>, %arg10: memref<!tpu.dma_semaphore, #tpu.memory_space<semaphore_mem>>, %arg11: memref<!tpu.dma_semaphore, #tpu.memory_space<semaphore_mem>>, %arg12: memref<!tpu.dma_semaphore, #tpu.memory_space<semaphore_mem>>, %arg13: memref<!tpu.dma_semaphore, #tpu.memory_space<semaphore_mem>>, %arg14: memref<!tpu.dma_semaphore, #tpu.memory_space<semaphore_mem>>) attributes {dimension_semantics = [#tpu.dimension_semantics<core_parallel>, #tpu.dimension_semantics<subcore_parallel>], iteration_bounds = array<i64: 2, 16>, scalar_prefetch = 0 : i64, scratch_operands = 10 : i64, tpu.core_type = #tpu.core_type<sc_vector_subcore>, window_params = [{transform_indices = #map}, {transform_indices = #map}, {transform_indices = #map1}]} {
    %mul3A = arith.constant 2 : i32
    %mul3A_0 = arith.muli %arg1, %mul3A : i32
    %add3A = arith.addi %mul3A_0, %arg0 : i32
    %mul3A_1 = arith.constant 128 : i32
    %mul3A_2 = arith.muli %add3A, %mul3A_1 : i32
    %mul3A_3 = arith.constant 256 : i32
    %mul3A_4 = arith.muli %add3A, %mul3A_3 : i32
    "tpu.region"() ({
      %run_scoped3A = tpu.sem_alloc : memref<!tpu.dma_semaphore, #tpu.memory_space<semaphore_mem>>
      %dma_start3A_135 = arith.constant 0 : i32
      %dma_start3A_136 = tpu.memref_slice %arg2[%mul3A_4, %dma_start3A_135] : memref<8192x100xi32, #tpu.memory_space<hbm>> -> memref<256x100xi32, #tpu.memory_space<hbm>>
      %dma_start3A_137 = arith.constant 0 : i32
      %dma_start3A_138 = tpu.memref_slice %arg2[%mul3A_4, %dma_start3A_137] : memref<8192x100xi32, #tpu.memory_space<hbm>> -> memref<256x100xi32, #tpu.memory_space<hbm>>
      tpu.enqueue_dma source(%dma_start3A_138 : memref<256x100xi32, #tpu.memory_space<hbm>>) target(%arg5 : memref<256x100xi32, #tpu.memory_space<vmem>>) target_semaphore(%run_scoped3A : memref<!tpu.dma_semaphore, #tpu.memory_space<semaphore_mem>>)
      %dma_wait3A_139 = arith.constant 0 : i32
      %dma_wait3A_140 = tpu.memref_slice %arg2[%mul3A_4, %dma_wait3A_139] : memref<8192x100xi32, #tpu.memory_space<hbm>> -> memref<256x100xi32, #tpu.memory_space<hbm>>
      %dma_wait3A_141 = arith.constant 0 : i32
      %dma_wait3A_142 = tpu.memref_slice %arg2[%mul3A_4, %dma_wait3A_141] : memref<8192x100xi32, #tpu.memory_space<hbm>> -> memref<256x100xi32, #tpu.memory_space<hbm>>
      tpu.wait_dma2 semaphore(%run_scoped3A : memref<!tpu.dma_semaphore, #tpu.memory_space<semaphore_mem>>) src(%dma_wait3A_142 : memref<256x100xi32, #tpu.memory_space<hbm>>) dst(%arg5 : memref<256x100xi32, #tpu.memory_space<vmem>>)
      tpu.yield
    }) : () -> ()
    %dma_start3A = arith.constant 0 : i32
    %dma_start3A_5 = arith.constant 0 : i32
    %dma_start3A_6 = arith.constant 0 : i32
    %dma_start3A_7 = arith.constant 0 : i32
    %dma_start3A_8 = arith.constant 0 : i32
    %dma_start3A_9 = tpu.memref_slice %arg6[%dma_start3A_5, %dma_start3A_6, %dma_start3A_7, %dma_start3A_8] : memref<4x1x200x64xf32, #tpu.memory_space<vmem>> -> memref<1x1x100x64xf32, #tpu.memory_space<vmem>>
    %dma_start3A_10 = tpu.memref_squeeze %dma_start3A_9 : memref<1x1x100x64xf32, #tpu.memory_space<vmem>> -> memref<100x64xf32, #tpu.memory_space<vmem>>
    %dma_start3A_11 = arith.constant 0 : i32
    %dma_start3A_12 = tpu.memref_slice %arg5[%dma_start3A, %dma_start3A_11] : memref<256x100xi32, #tpu.memory_space<vmem>> -> memref<1x100xi32, #tpu.memory_space<vmem>>
    %dma_start3A_13 = tpu.memref_squeeze %dma_start3A_12 : memref<1x100xi32, #tpu.memory_space<vmem>> -> memref<100xi32, #tpu.memory_space<vmem>>
    %dma_start3A_14 = arith.constant 0 : i32
    %dma_start3A_15 = arith.constant 0 : i32
    %dma_start3A_16 = tpu.memref_slice %arg3[%dma_start3A_14, %dma_start3A_15] : memref<1000000x64xf32, #tpu.memory_space<hbm>> -> memref<1000000x64xf32, #tpu.memory_space<hbm>>
    tpu.enqueue_indirect_dma source(%dma_start3A_16 : memref<1000000x64xf32, #tpu.memory_space<hbm>>) target(%dma_start3A_10 : memref<100x64xf32, #tpu.memory_space<vmem>>) offsets(%dma_start3A_13 : memref<100xi32, #tpu.memory_space<vmem>>) semaphore(%arg7 : memref<!tpu.dma_semaphore, #tpu.memory_space<semaphore_mem>>)
    %dma_start3A_17 = arith.constant 1 : i32
    %dma_start3A_18 = arith.constant 0 : i32
    %dma_start3A_19 = arith.constant 0 : i32
    %dma_start3A_20 = arith.constant 100 : i32
    %dma_start3A_21 = arith.constant 0 : i32
    %dma_start3A_22 = tpu.memref_slice %arg6[%dma_start3A_18, %dma_start3A_19, %dma_start3A_20, %dma_start3A_21] : memref<4x1x200x64xf32, #tpu.memory_space<vmem>> -> memref<1x1x100x64xf32, #tpu.memory_space<vmem>>
    %dma_start3A_23 = tpu.memref_squeeze %dma_start3A_22 : memref<1x1x100x64xf32, #tpu.memory_space<vmem>> -> memref<100x64xf32, #tpu.memory_space<vmem>>
    %dma_start3A_24 = arith.constant 0 : i32
    %dma_start3A_25 = tpu.memref_slice %arg5[%dma_start3A_17, %dma_start3A_24] : memref<256x100xi32, #tpu.memory_space<vmem>> -> memref<1x100xi32, #tpu.memory_space<vmem>>
    %dma_start3A_26 = tpu.memref_squeeze %dma_start3A_25 : memref<1x100xi32, #tpu.memory_space<vmem>> -> memref<100xi32, #tpu.memory_space<vmem>>
    %dma_start3A_27 = arith.constant 0 : i32
    %dma_start3A_28 = arith.constant 0 : i32
    %dma_start3A_29 = tpu.memref_slice %arg3[%dma_start3A_27, %dma_start3A_28] : memref<1000000x64xf32, #tpu.memory_space<hbm>> -> memref<1000000x64xf32, #tpu.memory_space<hbm>>
    tpu.enqueue_indirect_dma source(%dma_start3A_29 : memref<1000000x64xf32, #tpu.memory_space<hbm>>) target(%dma_start3A_23 : memref<100x64xf32, #tpu.memory_space<vmem>>) offsets(%dma_start3A_26 : memref<100xi32, #tpu.memory_space<vmem>>) semaphore(%arg7 : memref<!tpu.dma_semaphore, #tpu.memory_space<semaphore_mem>>)
    %dma_start3A_30 = arith.constant 2 : i32
    %dma_start3A_31 = arith.constant 1 : i32
    %dma_start3A_32 = arith.constant 0 : i32
    %dma_start3A_33 = arith.constant 0 : i32
    %dma_start3A_34 = arith.constant 0 : i32
    %dma_start3A_35 = tpu.memref_slice %arg6[%dma_start3A_31, %dma_start3A_32, %dma_start3A_33, %dma_start3A_34] : memref<4x1x200x64xf32, #tpu.memory_space<vmem>> -> memref<1x1x100x64xf32, #tpu.memory_space<vmem>>
    %dma_start3A_36 = tpu.memref_squeeze %dma_start3A_35 : memref<1x1x100x64xf32, #tpu.memory_space<vmem>> -> memref<100x64xf32, #tpu.memory_space<vmem>>
    %dma_start3A_37 = arith.constant 0 : i32
    %dma_start3A_38 = tpu.memref_slice %arg5[%dma_start3A_30, %dma_start3A_37] : memref<256x100xi32, #tpu.memory_space<vmem>> -> memref<1x100xi32, #tpu.memory_space<vmem>>
    %dma_start3A_39 = tpu.memref_squeeze %dma_start3A_38 : memref<1x100xi32, #tpu.memory_space<vmem>> -> memref<100xi32, #tpu.memory_space<vmem>>
    %dma_start3A_40 = arith.constant 0 : i32
    %dma_start3A_41 = arith.constant 0 : i32
    %dma_start3A_42 = tpu.memref_slice %arg3[%dma_start3A_40, %dma_start3A_41] : memref<1000000x64xf32, #tpu.memory_space<hbm>> -> memref<1000000x64xf32, #tpu.memory_space<hbm>>
    tpu.enqueue_indirect_dma source(%dma_start3A_42 : memref<1000000x64xf32, #tpu.memory_space<hbm>>) target(%dma_start3A_36 : memref<100x64xf32, #tpu.memory_space<vmem>>) offsets(%dma_start3A_39 : memref<100xi32, #tpu.memory_space<vmem>>) semaphore(%arg8 : memref<!tpu.dma_semaphore, #tpu.memory_space<semaphore_mem>>)
    %dma_start3A_43 = arith.constant 3 : i32
    %dma_start3A_44 = arith.constant 1 : i32
    %dma_start3A_45 = arith.constant 0 : i32
    %dma_start3A_46 = arith.constant 100 : i32
    %dma_start3A_47 = arith.constant 0 : i32
    %dma_start3A_48 = tpu.memref_slice %arg6[%dma_start3A_44, %dma_start3A_45, %dma_start3A_46, %dma_start3A_47] : memref<4x1x200x64xf32, #tpu.memory_space<vmem>> -> memref<1x1x100x64xf32, #tpu.memory_space<vmem>>
    %dma_start3A_49 = tpu.memref_squeeze %dma_start3A_48 : memref<1x1x100x64xf32, #tpu.memory_space<vmem>> -> memref<100x64xf32, #tpu.memory_space<vmem>>
    %dma_start3A_50 = arith.constant 0 : i32
    %dma_start3A_51 = tpu.memref_slice %arg5[%dma_start3A_43, %dma_start3A_50] : memref<256x100xi32, #tpu.memory_space<vmem>> -> memref<1x100xi32, #tpu.memory_space<vmem>>
    %dma_start3A_52 = tpu.memref_squeeze %dma_start3A_51 : memref<1x100xi32, #tpu.memory_space<vmem>> -> memref<100xi32, #tpu.memory_space<vmem>>
    %dma_start3A_53 = arith.constant 0 : i32
    %dma_start3A_54 = arith.constant 0 : i32
    %dma_start3A_55 = tpu.memref_slice %arg3[%dma_start3A_53, %dma_start3A_54] : memref<1000000x64xf32, #tpu.memory_space<hbm>> -> memref<1000000x64xf32, #tpu.memory_space<hbm>>
    tpu.enqueue_indirect_dma source(%dma_start3A_55 : memref<1000000x64xf32, #tpu.memory_space<hbm>>) target(%dma_start3A_49 : memref<100x64xf32, #tpu.memory_space<vmem>>) offsets(%dma_start3A_52 : memref<100xi32, #tpu.memory_space<vmem>>) semaphore(%arg8 : memref<!tpu.dma_semaphore, #tpu.memory_space<semaphore_mem>>)
    %scan3A = arith.constant 0 : i32
    %scan3A_56 = arith.constant 32 : i32
    %scan3A_57 = arith.addi %scan3A, %scan3A_56 : i32
    %scan3A_58 = arith.constant 1 : i32
    scf.for %scan3A_135 = %scan3A to %scan3A_57 step %scan3A_58  : i32 {
      %mul3A_136 = arith.constant 1 : i32
      %mul3A_137 = arith.muli %scan3A_135, %mul3A_136 : i32
      %add3A_138 = arith.constant 0 : i32
      %add3A_139 = arith.addi %add3A_138, %mul3A_137 : i32
      %mul3A_140 = arith.constant 4 : i32
      %mul3A_141 = arith.muli %add3A_139, %mul3A_140 : i32
      %add3A_142 = arith.constant 0 : i32
      %add3A_143 = arith.addi %mul3A_141, %add3A_142 : i32
      %add3A_144 = arith.constant 2 : i32
      %add3A_145 = arith.addi %add3A_143, %add3A_144 : i32
      %lt3A = arith.constant 128 : i32
      %lt3A_146 = arith.cmpi slt, %add3A_145, %lt3A : i32
      %convert_element_type3A = arith.extui %lt3A_146 : i1 to i32
      %cond3A = arith.constant 0 : i32
      %cond3A_147 = arith.cmpi ne, %convert_element_type3A, %cond3A : i32
      scf.if %cond3A_147 {
        %ge3A = arith.constant 2 : i32
        %ge3A_322 = arith.cmpi sge, %add3A_143, %ge3A : i32
        %convert_element_type3A_323 = arith.extui %ge3A_322 : i1 to i32
        %cond3A_324 = arith.constant 0 : i32
        %cond3A_325 = arith.cmpi ne, %convert_element_type3A_323, %cond3A_324 : i32
        scf.if %cond3A_325 {
          %dma_wait3A_360 = arith.constant 2 : i32
          %dma_wait3A_361 = arith.constant 0 : i32
          %dma_wait3A_362 = arith.constant 0 : i32
          %dma_wait3A_363 = arith.constant 0 : i32
          %dma_wait3A_364 = tpu.memref_slice %arg6[%dma_wait3A_360, %dma_wait3A_361, %dma_wait3A_362, %dma_wait3A_363] : memref<4x1x200x64xf32, #tpu.memory_space<vmem>> -> memref<1x1x200x64xf32, #tpu.memory_space<vmem>>
          %dma_wait3A_365 = tpu.memref_squeeze %dma_wait3A_364 : memref<1x1x200x64xf32, #tpu.memory_space<vmem>> -> memref<1x200x64xf32, #tpu.memory_space<vmem>>
          %dma_wait3A_366 = arith.constant 0 : i32
          %dma_wait3A_367 = arith.constant 0 : i32
          %dma_wait3A_368 = arith.constant 0 : i32
          %dma_wait3A_369 = tpu.memref_slice %arg4[%dma_wait3A_366, %dma_wait3A_367, %dma_wait3A_368] : memref<4096x200x64xf32, #tpu.memory_space<hbm>> -> memref<1x200x64xf32, #tpu.memory_space<hbm>>
          %dma_wait3A_370 = arith.constant 0 : i32
          %dma_wait3A_371 = arith.constant 0 : i32
          %dma_wait3A_372 = arith.constant 0 : i32
          %dma_wait3A_373 = tpu.memref_slice %arg4[%dma_wait3A_370, %dma_wait3A_371, %dma_wait3A_372] : memref<4096x200x64xf32, #tpu.memory_space<hbm>> -> memref<1x200x64xf32, #tpu.memory_space<hbm>>
          %dma_wait3A_374 = arith.constant 0 : i32
          %dma_wait3A_375 = arith.constant 0 : i32
          %dma_wait3A_376 = arith.constant 0 : i32
          %dma_wait3A_377 = tpu.memref_slice %arg6[%dma_wait3A_360, %dma_wait3A_374, %dma_wait3A_375, %dma_wait3A_376] : memref<4x1x200x64xf32, #tpu.memory_space<vmem>> -> memref<1x1x200x64xf32, #tpu.memory_space<vmem>>
          %dma_wait3A_378 = tpu.memref_squeeze %dma_wait3A_377 : memref<1x1x200x64xf32, #tpu.memory_space<vmem>> -> memref<1x200x64xf32, #tpu.memory_space<vmem>>
          tpu.wait_dma2 semaphore(%arg13 : memref<!tpu.dma_semaphore, #tpu.memory_space<semaphore_mem>>) src(%dma_wait3A_378 : memref<1x200x64xf32, #tpu.memory_space<vmem>>) dst(%dma_wait3A_373 : memref<1x200x64xf32, #tpu.memory_space<hbm>>)
        } else {
        }
        %add3A_326 = arith.constant 2 : i32
        %add3A_327 = arith.addi %add3A_143, %add3A_326 : i32
        %mul3A_328 = arith.constant 2 : i32
        %mul3A_329 = arith.muli %add3A_327, %mul3A_328 : i32
        %add3A_330 = arith.constant 0 : i32
        %add3A_331 = arith.addi %mul3A_329, %add3A_330 : i32
        %dma_start3A_332 = arith.constant 2 : i32
        %dma_start3A_333 = arith.constant 0 : i32
        %dma_start3A_334 = arith.constant 0 : i32
        %dma_start3A_335 = arith.constant 0 : i32
        %dma_start3A_336 = tpu.memref_slice %arg6[%dma_start3A_332, %dma_start3A_333, %dma_start3A_334, %dma_start3A_335] : memref<4x1x200x64xf32, #tpu.memory_space<vmem>> -> memref<1x1x100x64xf32, #tpu.memory_space<vmem>>
        %dma_start3A_337 = tpu.memref_squeeze %dma_start3A_336 : memref<1x1x100x64xf32, #tpu.memory_space<vmem>> -> memref<100x64xf32, #tpu.memory_space<vmem>>
        %dma_start3A_338 = arith.constant 0 : i32
        %dma_start3A_339 = tpu.memref_slice %arg5[%add3A_331, %dma_start3A_338] : memref<256x100xi32, #tpu.memory_space<vmem>> -> memref<1x100xi32, #tpu.memory_space<vmem>>
        %dma_start3A_340 = tpu.memref_squeeze %dma_start3A_339 : memref<1x100xi32, #tpu.memory_space<vmem>> -> memref<100xi32, #tpu.memory_space<vmem>>
        %dma_start3A_341 = arith.constant 0 : i32
        %dma_start3A_342 = arith.constant 0 : i32
        %dma_start3A_343 = tpu.memref_slice %arg3[%dma_start3A_341, %dma_start3A_342] : memref<1000000x64xf32, #tpu.memory_space<hbm>> -> memref<1000000x64xf32, #tpu.memory_space<hbm>>
        tpu.enqueue_indirect_dma source(%dma_start3A_343 : memref<1000000x64xf32, #tpu.memory_space<hbm>>) target(%dma_start3A_337 : memref<100x64xf32, #tpu.memory_space<vmem>>) offsets(%dma_start3A_340 : memref<100xi32, #tpu.memory_space<vmem>>) semaphore(%arg9 : memref<!tpu.dma_semaphore, #tpu.memory_space<semaphore_mem>>)
        %mul3A_344 = arith.constant 2 : i32
        %mul3A_345 = arith.muli %add3A_327, %mul3A_344 : i32
        %add3A_346 = arith.constant 1 : i32
        %add3A_347 = arith.addi %mul3A_345, %add3A_346 : i32
        %dma_start3A_348 = arith.constant 2 : i32
        %dma_start3A_349 = arith.constant 0 : i32
        %dma_start3A_350 = arith.constant 100 : i32
        %dma_start3A_351 = arith.constant 0 : i32
        %dma_start3A_352 = tpu.memref_slice %arg6[%dma_start3A_348, %dma_start3A_349, %dma_start3A_350, %dma_start3A_351] : memref<4x1x200x64xf32, #tpu.memory_space<vmem>> -> memref<1x1x100x64xf32, #tpu.memory_space<vmem>>
        %dma_start3A_353 = tpu.memref_squeeze %dma_start3A_352 : memref<1x1x100x64xf32, #tpu.memory_space<vmem>> -> memref<100x64xf32, #tpu.memory_space<vmem>>
        %dma_start3A_354 = arith.constant 0 : i32
        %dma_start3A_355 = tpu.memref_slice %arg5[%add3A_347, %dma_start3A_354] : memref<256x100xi32, #tpu.memory_space<vmem>> -> memref<1x100xi32, #tpu.memory_space<vmem>>
        %dma_start3A_356 = tpu.memref_squeeze %dma_start3A_355 : memref<1x100xi32, #tpu.memory_space<vmem>> -> memref<100xi32, #tpu.memory_space<vmem>>
        %dma_start3A_357 = arith.constant 0 : i32
        %dma_start3A_358 = arith.constant 0 : i32
        %dma_start3A_359 = tpu.memref_slice %arg3[%dma_start3A_357, %dma_start3A_358] : memref<1000000x64xf32, #tpu.memory_space<hbm>> -> memref<1000000x64xf32, #tpu.memory_space<hbm>>
        tpu.enqueue_indirect_dma source(%dma_start3A_359 : memref<1000000x64xf32, #tpu.memory_space<hbm>>) target(%dma_start3A_353 : memref<100x64xf32, #tpu.memory_space<vmem>>) offsets(%dma_start3A_356 : memref<100xi32, #tpu.memory_space<vmem>>) semaphore(%arg9 : memref<!tpu.dma_semaphore, #tpu.memory_space<semaphore_mem>>)
      } else {
      }
      %dma_wait3A_148 = arith.constant 0 : i32
      %dma_wait3A_149 = arith.constant 0 : i32
      %dma_wait3A_150 = arith.constant 0 : i32
      %dma_wait3A_151 = arith.constant 0 : i32
      %dma_wait3A_152 = tpu.memref_slice %arg6[%dma_wait3A_148, %dma_wait3A_149, %dma_wait3A_150, %dma_wait3A_151] : memref<4x1x200x64xf32, #tpu.memory_space<vmem>> -> memref<1x1x200x64xf32, #tpu.memory_space<vmem>>
      %dma_wait3A_153 = tpu.memref_squeeze %dma_wait3A_152 : memref<1x1x200x64xf32, #tpu.memory_space<vmem>> -> memref<200x64xf32, #tpu.memory_space<vmem>>
      %dma_wait3A_154 = arith.constant 0 : i32
      %dma_wait3A_155 = arith.constant 0 : i32
      %dma_wait3A_156 = tpu.memref_slice %arg3[%dma_wait3A_154, %dma_wait3A_155] : memref<1000000x64xf32, #tpu.memory_space<hbm>> -> memref<200x64xf32, #tpu.memory_space<hbm>>
      %dma_wait3A_157 = arith.constant 0 : i32
      %dma_wait3A_158 = arith.constant 0 : i32
      %dma_wait3A_159 = tpu.memref_slice %arg6[%dma_wait3A_148, %dma_wait3A_149, %dma_wait3A_157, %dma_wait3A_158] : memref<4x1x200x64xf32, #tpu.memory_space<vmem>> -> memref<1x1x200x64xf32, #tpu.memory_space<vmem>>
      %dma_wait3A_160 = tpu.memref_squeeze %dma_wait3A_159 : memref<1x1x200x64xf32, #tpu.memory_space<vmem>> -> memref<200x64xf32, #tpu.memory_space<vmem>>
      %dma_wait3A_161 = arith.constant 0 : i32
      %dma_wait3A_162 = arith.constant 0 : i32
      %dma_wait3A_163 = tpu.memref_slice %arg3[%dma_wait3A_161, %dma_wait3A_162] : memref<1000000x64xf32, #tpu.memory_space<hbm>> -> memref<200x64xf32, #tpu.memory_space<hbm>>
      tpu.wait_dma2 semaphore(%arg7 : memref<!tpu.dma_semaphore, #tpu.memory_space<semaphore_mem>>) src(%dma_wait3A_163 : memref<200x64xf32, #tpu.memory_space<hbm>>) dst(%dma_wait3A_160 : memref<200x64xf32, #tpu.memory_space<vmem>>)
      %parallel_loop3A = arith.constant 0 : i32
      %parallel_loop3A_164 = arith.constant 200 : i32
      %parallel_loop3A_165 = arith.constant 1 : i32
      scf.for %parallel_loop3A_322 = %parallel_loop3A to %parallel_loop3A_164 step %parallel_loop3A_165  : i32 {
        %parallel_loop3A_323 = arith.constant 0 : i32
        %parallel_loop3A_324 = arith.constant 0 : i32
        %parallel_loop3A_325 = arith.index_cast %parallel_loop3A_323 : i32 to index
        %parallel_loop3A_326 = arith.index_cast %parallel_loop3A_324 : i32 to index
        %parallel_loop3A_327 = arith.index_cast %parallel_loop3A_322 : i32 to index
        %parallel_loop3A_328 = arith.constant 0 : index
        %parallel_loop3A_329 = tpu.vector_load %arg6[%parallel_loop3A_325, %parallel_loop3A_326, %parallel_loop3A_327, %parallel_loop3A_328] {strides = array<i32>} : memref<4x1x200x64xf32, #tpu.memory_space<vmem>>, vector<1x1x1x16xf32>,
        %parallel_loop3A_330 = vector.shape_cast %parallel_loop3A_329 : vector<1x1x1x16xf32> to vector<16xf32>
        %parallel_loop3A_331 = arith.constant 8.000000e+00 : f32
        %parallel_loop3A_332 = vector.broadcast %parallel_loop3A_331 : f32 to vector<16xf32>
        %parallel_loop3A_333 = arith.mulf %parallel_loop3A_330, %parallel_loop3A_332 : vector<16xf32>
        %parallel_loop3A_334 = arith.constant 0 : i32
        %parallel_loop3A_335 = arith.constant 0 : i32
        %parallel_loop3A_336 = arith.index_cast %parallel_loop3A_334 : i32 to index
        %parallel_loop3A_337 = arith.index_cast %parallel_loop3A_335 : i32 to index
        %parallel_loop3A_338 = arith.index_cast %parallel_loop3A_322 : i32 to index
        %parallel_loop3A_339 = arith.constant 0 : index
        %parallel_loop3A_340 = tpu.vector_load %arg6[%parallel_loop3A_336, %parallel_loop3A_337, %parallel_loop3A_338, %parallel_loop3A_339] {strides = array<i32>} : memref<4x1x200x64xf32, #tpu.memory_space<vmem>>, vector<1x1x1x16xf32>,
        %parallel_loop3A_341 = vector.shape_cast %parallel_loop3A_340 : vector<1x1x1x16xf32> to vector<16xf32>
        %parallel_loop3A_342 = vector.shape_cast %parallel_loop3A_333 : vector<16xf32> to vector<1x1x1x16xf32>
        tpu.vector_store %arg6[%parallel_loop3A_336, %parallel_loop3A_337, %parallel_loop3A_338, %parallel_loop3A_339], %parallel_loop3A_342 {strides = array<i32>} : memref<4x1x200x64xf32, #tpu.memory_space<vmem>>, vector<1x1x1x16xf32>,
        %parallel_loop3A_343 = arith.constant 0 : i32
        %parallel_loop3A_344 = arith.constant 0 : i32
        %parallel_loop3A_345 = arith.index_cast %parallel_loop3A_343 : i32 to index
        %parallel_loop3A_346 = arith.index_cast %parallel_loop3A_344 : i32 to index
        %parallel_loop3A_347 = arith.index_cast %parallel_loop3A_322 : i32 to index
        %parallel_loop3A_348 = arith.constant 16 : index
        %parallel_loop3A_349 = tpu.vector_load %arg6[%parallel_loop3A_345, %parallel_loop3A_346, %parallel_loop3A_347, %parallel_loop3A_348] {strides = array<i32>} : memref<4x1x200x64xf32, #tpu.memory_space<vmem>>, vector<1x1x1x16xf32>,
        %parallel_loop3A_350 = vector.shape_cast %parallel_loop3A_349 : vector<1x1x1x16xf32> to vector<16xf32>
        %parallel_loop3A_351 = arith.constant 8.000000e+00 : f32
        %parallel_loop3A_352 = vector.broadcast %parallel_loop3A_351 : f32 to vector<16xf32>
        %parallel_loop3A_353 = arith.mulf %parallel_loop3A_350, %parallel_loop3A_352 : vector<16xf32>
        %parallel_loop3A_354 = arith.constant 0 : i32
        %parallel_loop3A_355 = arith.constant 0 : i32
        %parallel_loop3A_356 = arith.index_cast %parallel_loop3A_354 : i32 to index
        %parallel_loop3A_357 = arith.index_cast %parallel_loop3A_355 : i32 to index
        %parallel_loop3A_358 = arith.index_cast %parallel_loop3A_322 : i32 to index
        %parallel_loop3A_359 = arith.constant 16 : index
        %parallel_loop3A_360 = tpu.vector_load %arg6[%parallel_loop3A_356, %parallel_loop3A_357, %parallel_loop3A_358, %parallel_loop3A_359] {strides = array<i32>} : memref<4x1x200x64xf32, #tpu.memory_space<vmem>>, vector<1x1x1x16xf32>,
        %parallel_loop3A_361 = vector.shape_cast %parallel_loop3A_360 : vector<1x1x1x16xf32> to vector<16xf32>
        %parallel_loop3A_362 = vector.shape_cast %parallel_loop3A_353 : vector<16xf32> to vector<1x1x1x16xf32>
        tpu.vector_store %arg6[%parallel_loop3A_356, %parallel_loop3A_357, %parallel_loop3A_358, %parallel_loop3A_359], %parallel_loop3A_362 {strides = array<i32>} : memref<4x1x200x64xf32, #tpu.memory_space<vmem>>, vector<1x1x1x16xf32>,
        %parallel_loop3A_363 = arith.constant 0 : i32
        %parallel_loop3A_364 = arith.constant 0 : i32
        %parallel_loop3A_365 = arith.index_cast %parallel_loop3A_363 : i32 to index
        %parallel_loop3A_366 = arith.index_cast %parallel_loop3A_364 : i32 to index
        %parallel_loop3A_367 = arith.index_cast %parallel_loop3A_322 : i32 to index
        %parallel_loop3A_368 = arith.constant 32 : index
        %parallel_loop3A_369 = tpu.vector_load %arg6[%parallel_loop3A_365, %parallel_loop3A_366, %parallel_loop3A_367, %parallel_loop3A_368] {strides = array<i32>} : memref<4x1x200x64xf32, #tpu.memory_space<vmem>>, vector<1x1x1x16xf32>,
        %parallel_loop3A_370 = vector.shape_cast %parallel_loop3A_369 : vector<1x1x1x16xf32> to vector<16xf32>
        %parallel_loop3A_371 = arith.constant 8.000000e+00 : f32
        %parallel_loop3A_372 = vector.broadcast %parallel_loop3A_371 : f32 to vector<16xf32>
        %parallel_loop3A_373 = arith.mulf %parallel_loop3A_370, %parallel_loop3A_372 : vector<16xf32>
        %parallel_loop3A_374 = arith.constant 0 : i32
        %parallel_loop3A_375 = arith.constant 0 : i32
        %parallel_loop3A_376 = arith.index_cast %parallel_loop3A_374 : i32 to index
        %parallel_loop3A_377 = arith.index_cast %parallel_loop3A_375 : i32 to index
        %parallel_loop3A_378 = arith.index_cast %parallel_loop3A_322 : i32 to index
        %parallel_loop3A_379 = arith.constant 32 : index
        %parallel_loop3A_380 = tpu.vector_load %arg6[%parallel_loop3A_376, %parallel_loop3A_377, %parallel_loop3A_378, %parallel_loop3A_379] {strides = array<i32>} : memref<4x1x200x64xf32, #tpu.memory_space<vmem>>, vector<1x1x1x16xf32>,
        %parallel_loop3A_381 = vector.shape_cast %parallel_loop3A_380 : vector<1x1x1x16xf32> to vector<16xf32>
        %parallel_loop3A_382 = vector.shape_cast %parallel_loop3A_373 : vector<16xf32> to vector<1x1x1x16xf32>
        tpu.vector_store %arg6[%parallel_loop3A_376, %parallel_loop3A_377, %parallel_loop3A_378, %parallel_loop3A_379], %parallel_loop3A_382 {strides = array<i32>} : memref<4x1x200x64xf32, #tpu.memory_space<vmem>>, vector<1x1x1x16xf32>,
        %parallel_loop3A_383 = arith.constant 0 : i32
        %parallel_loop3A_384 = arith.constant 0 : i32
        %parallel_loop3A_385 = arith.index_cast %parallel_loop3A_383 : i32 to index
        %parallel_loop3A_386 = arith.index_cast %parallel_loop3A_384 : i32 to index
        %parallel_loop3A_387 = arith.index_cast %parallel_loop3A_322 : i32 to index
        %parallel_loop3A_388 = arith.constant 48 : index
        %parallel_loop3A_389 = tpu.vector_load %arg6[%parallel_loop3A_385, %parallel_loop3A_386, %parallel_loop3A_387, %parallel_loop3A_388] {strides = array<i32>} : memref<4x1x200x64xf32, #tpu.memory_space<vmem>>, vector<1x1x1x16xf32>,
        %parallel_loop3A_390 = vector.shape_cast %parallel_loop3A_389 : vector<1x1x1x16xf32> to vector<16xf32>
        %parallel_loop3A_391 = arith.constant 8.000000e+00 : f32
        %parallel_loop3A_392 = vector.broadcast %parallel_loop3A_391 : f32 to vector<16xf32>
        %parallel_loop3A_393 = arith.mulf %parallel_loop3A_390, %parallel_loop3A_392 : vector<16xf32>
        %parallel_loop3A_394 = arith.constant 0 : i32
        %parallel_loop3A_395 = arith.constant 0 : i32
        %parallel_loop3A_396 = arith.index_cast %parallel_loop3A_394 : i32 to index
        %parallel_loop3A_397 = arith.index_cast %parallel_loop3A_395 : i32 to index
        %parallel_loop3A_398 = arith.index_cast %parallel_loop3A_322 : i32 to index
        %parallel_loop3A_399 = arith.constant 48 : index
        %parallel_loop3A_400 = tpu.vector_load %arg6[%parallel_loop3A_396, %parallel_loop3A_397, %parallel_loop3A_398, %parallel_loop3A_399] {strides = array<i32>} : memref<4x1x200x64xf32, #tpu.memory_space<vmem>>, vector<1x1x1x16xf32>,
        %parallel_loop3A_401 = vector.shape_cast %parallel_loop3A_400 : vector<1x1x1x16xf32> to vector<16xf32>
        %parallel_loop3A_402 = vector.shape_cast %parallel_loop3A_393 : vector<16xf32> to vector<1x1x1x16xf32>
        tpu.vector_store %arg6[%parallel_loop3A_396, %parallel_loop3A_397, %parallel_loop3A_398, %parallel_loop3A_399], %parallel_loop3A_402 {strides = array<i32>} : memref<4x1x200x64xf32, #tpu.memory_space<vmem>>, vector<1x1x1x16xf32>,
      } {sc.loop_unroll_factor = 4 : i64, sc.parallel_access}
      %add3A_166 = arith.addi %mul3A_2, %add3A_143 : i32
      %dma_start3A_167 = arith.constant 0 : i32
      %dma_start3A_168 = arith.constant 0 : i32
      %dma_start3A_169 = arith.constant 0 : i32
      %dma_start3A_170 = arith.constant 0 : i32
      %dma_start3A_171 = tpu.memref_slice %arg6[%dma_start3A_167, %dma_start3A_168, %dma_start3A_169, %dma_start3A_170] : memref<4x1x200x64xf32, #tpu.memory_space<vmem>> -> memref<1x1x200x64xf32, #tpu.memory_space<vmem>>
      %dma_start3A_172 = tpu.memref_squeeze %dma_start3A_171 : memref<1x1x200x64xf32, #tpu.memory_space<vmem>> -> memref<1x200x64xf32, #tpu.memory_space<vmem>>
      %dma_start3A_173 = arith.constant 0 : i32
      %dma_start3A_174 = arith.constant 0 : i32
      %dma_start3A_175 = tpu.memref_slice %arg4[%add3A_166, %dma_start3A_173, %dma_start3A_174] : memref<4096x200x64xf32, #tpu.memory_space<hbm>> -> memref<1x200x64xf32, #tpu.memory_space<hbm>>
      %dma_start3A_176 = arith.constant 0 : i32
      %dma_start3A_177 = arith.constant 0 : i32
      %dma_start3A_178 = tpu.memref_slice %arg4[%add3A_166, %dma_start3A_176, %dma_start3A_177] : memref<4096x200x64xf32, #tpu.memory_space<hbm>> -> memref<1x200x64xf32, #tpu.memory_space<hbm>>
      %dma_start3A_179 = arith.constant 0 : i32
      %dma_start3A_180 = arith.constant 0 : i32
      %dma_start3A_181 = arith.constant 0 : i32
      %dma_start3A_182 = tpu.memref_slice %arg6[%dma_start3A_167, %dma_start3A_179, %dma_start3A_180, %dma_start3A_181] : memref<4x1x200x64xf32, #tpu.memory_space<vmem>> -> memref<1x1x200x64xf32, #tpu.memory_space<vmem>>
      %dma_start3A_183 = tpu.memref_squeeze %dma_start3A_182 : memref<1x1x200x64xf32, #tpu.memory_space<vmem>> -> memref<1x200x64xf32, #tpu.memory_space<vmem>>
      tpu.enqueue_dma source(%dma_start3A_183 : memref<1x200x64xf32, #tpu.memory_space<vmem>>) target(%dma_start3A_178 : memref<1x200x64xf32, #tpu.memory_space<hbm>>) target_semaphore(%arg11 : memref<!tpu.dma_semaphore, #tpu.memory_space<semaphore_mem>>)
      %add3A_184 = arith.constant 1 : i32
      %add3A_185 = arith.addi %mul3A_141, %add3A_184 : i32
      %add3A_186 = arith.constant 2 : i32
      %add3A_187 = arith.addi %add3A_185, %add3A_186 : i32
      %lt3A_188 = arith.constant 128 : i32
      %lt3A_189 = arith.cmpi slt, %add3A_187, %lt3A_188 : i32
      %convert_element_type3A_190 = arith.extui %lt3A_189 : i1 to i32
      %cond3A_191 = arith.constant 0 : i32
      %cond3A_192 = arith.cmpi ne, %convert_element_type3A_190, %cond3A_191 : i32
      scf.if %cond3A_192 {
        %ge3A = arith.constant 2 : i32
        %ge3A_322 = arith.cmpi sge, %add3A_185, %ge3A : i32
        %convert_element_type3A_323 = arith.extui %ge3A_322 : i1 to i32
        %cond3A_324 = arith.constant 0 : i32
        %cond3A_325 = arith.cmpi ne, %convert_element_type3A_323, %cond3A_324 : i32
        scf.if %cond3A_325 {
          %dma_wait3A_360 = arith.constant 3 : i32
          %dma_wait3A_361 = arith.constant 0 : i32
          %dma_wait3A_362 = arith.constant 0 : i32
          %dma_wait3A_363 = arith.constant 0 : i32
          %dma_wait3A_364 = tpu.memref_slice %arg6[%dma_wait3A_360, %dma_wait3A_361, %dma_wait3A_362, %dma_wait3A_363] : memref<4x1x200x64xf32, #tpu.memory_space<vmem>> -> memref<1x1x200x64xf32, #tpu.memory_space<vmem>>
          %dma_wait3A_365 = tpu.memref_squeeze %dma_wait3A_364 : memref<1x1x200x64xf32, #tpu.memory_space<vmem>> -> memref<1x200x64xf32, #tpu.memory_space<vmem>>
          %dma_wait3A_366 = arith.constant 0 : i32
          %dma_wait3A_367 = arith.constant 0 : i32
          %dma_wait3A_368 = arith.constant 0 : i32
          %dma_wait3A_369 = tpu.memref_slice %arg4[%dma_wait3A_366, %dma_wait3A_367, %dma_wait3A_368] : memref<4096x200x64xf32, #tpu.memory_space<hbm>> -> memref<1x200x64xf32, #tpu.memory_space<hbm>>
          %dma_wait3A_370 = arith.constant 0 : i32
          %dma_wait3A_371 = arith.constant 0 : i32
          %dma_wait3A_372 = arith.constant 0 : i32
          %dma_wait3A_373 = tpu.memref_slice %arg4[%dma_wait3A_370, %dma_wait3A_371, %dma_wait3A_372] : memref<4096x200x64xf32, #tpu.memory_space<hbm>> -> memref<1x200x64xf32, #tpu.memory_space<hbm>>
          %dma_wait3A_374 = arith.constant 0 : i32
          %dma_wait3A_375 = arith.constant 0 : i32
          %dma_wait3A_376 = arith.constant 0 : i32
          %dma_wait3A_377 = tpu.memref_slice %arg6[%dma_wait3A_360, %dma_wait3A_374, %dma_wait3A_375, %dma_wait3A_376] : memref<4x1x200x64xf32, #tpu.memory_space<vmem>> -> memref<1x1x200x64xf32, #tpu.memory_space<vmem>>
          %dma_wait3A_378 = tpu.memref_squeeze %dma_wait3A_377 : memref<1x1x200x64xf32, #tpu.memory_space<vmem>> -> memref<1x200x64xf32, #tpu.memory_space<vmem>>
          tpu.wait_dma2 semaphore(%arg14 : memref<!tpu.dma_semaphore, #tpu.memory_space<semaphore_mem>>) src(%dma_wait3A_378 : memref<1x200x64xf32, #tpu.memory_space<vmem>>) dst(%dma_wait3A_373 : memref<1x200x64xf32, #tpu.memory_space<hbm>>)
        } else {
        }
        %add3A_326 = arith.constant 2 : i32
        %add3A_327 = arith.addi %add3A_185, %add3A_326 : i32
        %mul3A_328 = arith.constant 2 : i32
        %mul3A_329 = arith.muli %add3A_327, %mul3A_328 : i32
        %add3A_330 = arith.constant 0 : i32
        %add3A_331 = arith.addi %mul3A_329, %add3A_330 : i32
        %dma_start3A_332 = arith.constant 3 : i32
        %dma_start3A_333 = arith.constant 0 : i32
        %dma_start3A_334 = arith.constant 0 : i32
        %dma_start3A_335 = arith.constant 0 : i32
        %dma_start3A_336 = tpu.memref_slice %arg6[%dma_start3A_332, %dma_start3A_333, %dma_start3A_334, %dma_start3A_335] : memref<4x1x200x64xf32, #tpu.memory_space<vmem>> -> memref<1x1x100x64xf32, #tpu.memory_space<vmem>>
        %dma_start3A_337 = tpu.memref_squeeze %dma_start3A_336 : memref<1x1x100x64xf32, #tpu.memory_space<vmem>> -> memref<100x64xf32, #tpu.memory_space<vmem>>
        %dma_start3A_338 = arith.constant 0 : i32
        %dma_start3A_339 = tpu.memref_slice %arg5[%add3A_331, %dma_start3A_338] : memref<256x100xi32, #tpu.memory_space<vmem>> -> memref<1x100xi32, #tpu.memory_space<vmem>>
        %dma_start3A_340 = tpu.memref_squeeze %dma_start3A_339 : memref<1x100xi32, #tpu.memory_space<vmem>> -> memref<100xi32, #tpu.memory_space<vmem>>
        %dma_start3A_341 = arith.constant 0 : i32
        %dma_start3A_342 = arith.constant 0 : i32
        %dma_start3A_343 = tpu.memref_slice %arg3[%dma_start3A_341, %dma_start3A_342] : memref<1000000x64xf32, #tpu.memory_space<hbm>> -> memref<1000000x64xf32, #tpu.memory_space<hbm>>
        tpu.enqueue_indirect_dma source(%dma_start3A_343 : memref<1000000x64xf32, #tpu.memory_space<hbm>>) target(%dma_start3A_337 : memref<100x64xf32, #tpu.memory_space<vmem>>) offsets(%dma_start3A_340 : memref<100xi32, #tpu.memory_space<vmem>>) semaphore(%arg10 : memref<!tpu.dma_semaphore, #tpu.memory_space<semaphore_mem>>)
        %mul3A_344 = arith.constant 2 : i32
        %mul3A_345 = arith.muli %add3A_327, %mul3A_344 : i32
        %add3A_346 = arith.constant 1 : i32
        %add3A_347 = arith.addi %mul3A_345, %add3A_346 : i32
        %dma_start3A_348 = arith.constant 3 : i32
        %dma_start3A_349 = arith.constant 0 : i32
        %dma_start3A_350 = arith.constant 100 : i32
        %dma_start3A_351 = arith.constant 0 : i32
        %dma_start3A_352 = tpu.memref_slice %arg6[%dma_start3A_348, %dma_start3A_349, %dma_start3A_350, %dma_start3A_351] : memref<4x1x200x64xf32, #tpu.memory_space<vmem>> -> memref<1x1x100x64xf32, #tpu.memory_space<vmem>>
        %dma_start3A_353 = tpu.memref_squeeze %dma_start3A_352 : memref<1x1x100x64xf32, #tpu.memory_space<vmem>> -> memref<100x64xf32, #tpu.memory_space<vmem>>
        %dma_start3A_354 = arith.constant 0 : i32
        %dma_start3A_355 = tpu.memref_slice %arg5[%add3A_347, %dma_start3A_354] : memref<256x100xi32, #tpu.memory_space<vmem>> -> memref<1x100xi32, #tpu.memory_space<vmem>>
        %dma_start3A_356 = tpu.memref_squeeze %dma_start3A_355 : memref<1x100xi32, #tpu.memory_space<vmem>> -> memref<100xi32, #tpu.memory_space<vmem>>
        %dma_start3A_357 = arith.constant 0 : i32
        %dma_start3A_358 = arith.constant 0 : i32
        %dma_start3A_359 = tpu.memref_slice %arg3[%dma_start3A_357, %dma_start3A_358] : memref<1000000x64xf32, #tpu.memory_space<hbm>> -> memref<1000000x64xf32, #tpu.memory_space<hbm>>
        tpu.enqueue_indirect_dma source(%dma_start3A_359 : memref<1000000x64xf32, #tpu.memory_space<hbm>>) target(%dma_start3A_353 : memref<100x64xf32, #tpu.memory_space<vmem>>) offsets(%dma_start3A_356 : memref<100xi32, #tpu.memory_space<vmem>>) semaphore(%arg10 : memref<!tpu.dma_semaphore, #tpu.memory_space<semaphore_mem>>)
      } else {
      }
      %dma_wait3A_193 = arith.constant 1 : i32
      %dma_wait3A_194 = arith.constant 0 : i32
      %dma_wait3A_195 = arith.constant 0 : i32
      %dma_wait3A_196 = arith.constant 0 : i32
      %dma_wait3A_197 = tpu.memref_slice %arg6[%dma_wait3A_193, %dma_wait3A_194, %dma_wait3A_195, %dma_wait3A_196] : memref<4x1x200x64xf32, #tpu.memory_space<vmem>> -> memref<1x1x200x64xf32, #tpu.memory_space<vmem>>
      %dma_wait3A_198 = tpu.memref_squeeze %dma_wait3A_197 : memref<1x1x200x64xf32, #tpu.memory_space<vmem>> -> memref<200x64xf32, #tpu.memory_space<vmem>>
      %dma_wait3A_199 = arith.constant 0 : i32
      %dma_wait3A_200 = arith.constant 0 : i32
      %dma_wait3A_201 = tpu.memref_slice %arg3[%dma_wait3A_199, %dma_wait3A_200] : memref<1000000x64xf32, #tpu.memory_space<hbm>> -> memref<200x64xf32, #tpu.memory_space<hbm>>
      %dma_wait3A_202 = arith.constant 0 : i32
      %dma_wait3A_203 = arith.constant 0 : i32
      %dma_wait3A_204 = tpu.memref_slice %arg6[%dma_wait3A_193, %dma_wait3A_194, %dma_wait3A_202, %dma_wait3A_203] : memref<4x1x200x64xf32, #tpu.memory_space<vmem>> -> memref<1x1x200x64xf32, #tpu.memory_space<vmem>>
      %dma_wait3A_205 = tpu.memref_squeeze %dma_wait3A_204 : memref<1x1x200x64xf32, #tpu.memory_space<vmem>> -> memref<200x64xf32, #tpu.memory_space<vmem>>
      %dma_wait3A_206 = arith.constant 0 : i32
      %dma_wait3A_207 = arith.constant 0 : i32
      %dma_wait3A_208 = tpu.memref_slice %arg3[%dma_wait3A_206, %dma_wait3A_207] : memref<1000000x64xf32, #tpu.memory_space<hbm>> -> memref<200x64xf32, #tpu.memory_space<hbm>>
      tpu.wait_dma2 semaphore(%arg8 : memref<!tpu.dma_semaphore, #tpu.memory_space<semaphore_mem>>) src(%dma_wait3A_208 : memref<200x64xf32, #tpu.memory_space<hbm>>) dst(%dma_wait3A_205 : memref<200x64xf32, #tpu.memory_space<vmem>>)
      %parallel_loop3A_209 = arith.constant 0 : i32
      %parallel_loop3A_210 = arith.constant 200 : i32
      %parallel_loop3A_211 = arith.constant 1 : i32
      scf.for %parallel_loop3A_322 = %parallel_loop3A_209 to %parallel_loop3A_210 step %parallel_loop3A_211  : i32 {
        %parallel_loop3A_323 = arith.constant 1 : i32
        %parallel_loop3A_324 = arith.constant 0 : i32
        %parallel_loop3A_325 = arith.index_cast %parallel_loop3A_323 : i32 to index
        %parallel_loop3A_326 = arith.index_cast %parallel_loop3A_324 : i32 to index
        %parallel_loop3A_327 = arith.index_cast %parallel_loop3A_322 : i32 to index
        %parallel_loop3A_328 = arith.constant 0 : index
        %parallel_loop3A_329 = tpu.vector_load %arg6[%parallel_loop3A_325, %parallel_loop3A_326, %parallel_loop3A_327, %parallel_loop3A_328] {strides = array<i32>} : memref<4x1x200x64xf32, #tpu.memory_space<vmem>>, vector<1x1x1x16xf32>,
        %parallel_loop3A_330 = vector.shape_cast %parallel_loop3A_329 : vector<1x1x1x16xf32> to vector<16xf32>
        %parallel_loop3A_331 = arith.constant 8.000000e+00 : f32
        %parallel_loop3A_332 = vector.broadcast %parallel_loop3A_331 : f32 to vector<16xf32>
        %parallel_loop3A_333 = arith.mulf %parallel_loop3A_330, %parallel_loop3A_332 : vector<16xf32>
        %parallel_loop3A_334 = arith.constant 1 : i32
        %parallel_loop3A_335 = arith.constant 0 : i32
        %parallel_loop3A_336 = arith.index_cast %parallel_loop3A_334 : i32 to index
        %parallel_loop3A_337 = arith.index_cast %parallel_loop3A_335 : i32 to index
        %parallel_loop3A_338 = arith.index_cast %parallel_loop3A_322 : i32 to index
        %parallel_loop3A_339 = arith.constant 0 : index
        %parallel_loop3A_340 = tpu.vector_load %arg6[%parallel_loop3A_336, %parallel_loop3A_337, %parallel_loop3A_338, %parallel_loop3A_339] {strides = array<i32>} : memref<4x1x200x64xf32, #tpu.memory_space<vmem>>, vector<1x1x1x16xf32>,
        %parallel_loop3A_341 = vector.shape_cast %parallel_loop3A_340 : vector<1x1x1x16xf32> to vector<16xf32>
        %parallel_loop3A_342 = vector.shape_cast %parallel_loop3A_333 : vector<16xf32> to vector<1x1x1x16xf32>
        tpu.vector_store %arg6[%parallel_loop3A_336, %parallel_loop3A_337, %parallel_loop3A_338, %parallel_loop3A_339], %parallel_loop3A_342 {strides = array<i32>} : memref<4x1x200x64xf32, #tpu.memory_space<vmem>>, vector<1x1x1x16xf32>,
        %parallel_loop3A_343 = arith.constant 1 : i32
        %parallel_loop3A_344 = arith.constant 0 : i32
        %parallel_loop3A_345 = arith.index_cast %parallel_loop3A_343 : i32 to index
        %parallel_loop3A_346 = arith.index_cast %parallel_loop3A_344 : i32 to index
        %parallel_loop3A_347 = arith.index_cast %parallel_loop3A_322 : i32 to index
        %parallel_loop3A_348 = arith.constant 16 : index
        %parallel_loop3A_349 = tpu.vector_load %arg6[%parallel_loop3A_345, %parallel_loop3A_346, %parallel_loop3A_347, %parallel_loop3A_348] {strides = array<i32>} : memref<4x1x200x64xf32, #tpu.memory_space<vmem>>, vector<1x1x1x16xf32>,
        %parallel_loop3A_350 = vector.shape_cast %parallel_loop3A_349 : vector<1x1x1x16xf32> to vector<16xf32>
        %parallel_loop3A_351 = arith.constant 8.000000e+00 : f32
        %parallel_loop3A_352 = vector.broadcast %parallel_loop3A_351 : f32 to vector<16xf32>
        %parallel_loop3A_353 = arith.mulf %parallel_loop3A_350, %parallel_loop3A_352 : vector<16xf32>
        %parallel_loop3A_354 = arith.constant 1 : i32
        %parallel_loop3A_355 = arith.constant 0 : i32
        %parallel_loop3A_356 = arith.index_cast %parallel_loop3A_354 : i32 to index
        %parallel_loop3A_357 = arith.index_cast %parallel_loop3A_355 : i32 to index
        %parallel_loop3A_358 = arith.index_cast %parallel_loop3A_322 : i32 to index
        %parallel_loop3A_359 = arith.constant 16 : index
        %parallel_loop3A_360 = tpu.vector_load %arg6[%parallel_loop3A_356, %parallel_loop3A_357, %parallel_loop3A_358, %parallel_loop3A_359] {strides = array<i32>} : memref<4x1x200x64xf32, #tpu.memory_space<vmem>>, vector<1x1x1x16xf32>,
        %parallel_loop3A_361 = vector.shape_cast %parallel_loop3A_360 : vector<1x1x1x16xf32> to vector<16xf32>
        %parallel_loop3A_362 = vector.shape_cast %parallel_loop3A_353 : vector<16xf32> to vector<1x1x1x16xf32>
        tpu.vector_store %arg6[%parallel_loop3A_356, %parallel_loop3A_357, %parallel_loop3A_358, %parallel_loop3A_359], %parallel_loop3A_362 {strides = array<i32>} : memref<4x1x200x64xf32, #tpu.memory_space<vmem>>, vector<1x1x1x16xf32>,
        %parallel_loop3A_363 = arith.constant 1 : i32
        %parallel_loop3A_364 = arith.constant 0 : i32
        %parallel_loop3A_365 = arith.index_cast %parallel_loop3A_363 : i32 to index
        %parallel_loop3A_366 = arith.index_cast %parallel_loop3A_364 : i32 to index
        %parallel_loop3A_367 = arith.index_cast %parallel_loop3A_322 : i32 to index
        %parallel_loop3A_368 = arith.constant 32 : index
        %parallel_loop3A_369 = tpu.vector_load %arg6[%parallel_loop3A_365, %parallel_loop3A_366, %parallel_loop3A_367, %parallel_loop3A_368] {strides = array<i32>} : memref<4x1x200x64xf32, #tpu.memory_space<vmem>>, vector<1x1x1x16xf32>,
        %parallel_loop3A_370 = vector.shape_cast %parallel_loop3A_369 : vector<1x1x1x16xf32> to vector<16xf32>
        %parallel_loop3A_371 = arith.constant 8.000000e+00 : f32
        %parallel_loop3A_372 = vector.broadcast %parallel_loop3A_371 : f32 to vector<16xf32>
        %parallel_loop3A_373 = arith.mulf %parallel_loop3A_370, %parallel_loop3A_372 : vector<16xf32>
        %parallel_loop3A_374 = arith.constant 1 : i32
        %parallel_loop3A_375 = arith.constant 0 : i32
        %parallel_loop3A_376 = arith.index_cast %parallel_loop3A_374 : i32 to index
        %parallel_loop3A_377 = arith.index_cast %parallel_loop3A_375 : i32 to index
        %parallel_loop3A_378 = arith.index_cast %parallel_loop3A_322 : i32 to index
        %parallel_loop3A_379 = arith.constant 32 : index
        %parallel_loop3A_380 = tpu.vector_load %arg6[%parallel_loop3A_376, %parallel_loop3A_377, %parallel_loop3A_378, %parallel_loop3A_379] {strides = array<i32>} : memref<4x1x200x64xf32, #tpu.memory_space<vmem>>, vector<1x1x1x16xf32>,
        %parallel_loop3A_381 = vector.shape_cast %parallel_loop3A_380 : vector<1x1x1x16xf32> to vector<16xf32>
        %parallel_loop3A_382 = vector.shape_cast %parallel_loop3A_373 : vector<16xf32> to vector<1x1x1x16xf32>
        tpu.vector_store %arg6[%parallel_loop3A_376, %parallel_loop3A_377, %parallel_loop3A_378, %parallel_loop3A_379], %parallel_loop3A_382 {strides = array<i32>} : memref<4x1x200x64xf32, #tpu.memory_space<vmem>>, vector<1x1x1x16xf32>,
        %parallel_loop3A_383 = arith.constant 1 : i32
        %parallel_loop3A_384 = arith.constant 0 : i32
        %parallel_loop3A_385 = arith.index_cast %parallel_loop3A_383 : i32 to index
        %parallel_loop3A_386 = arith.index_cast %parallel_loop3A_384 : i32 to index
        %parallel_loop3A_387 = arith.index_cast %parallel_loop3A_322 : i32 to index
        %parallel_loop3A_388 = arith.constant 48 : index
        %parallel_loop3A_389 = tpu.vector_load %arg6[%parallel_loop3A_385, %parallel_loop3A_386, %parallel_loop3A_387, %parallel_loop3A_388] {strides = array<i32>} : memref<4x1x200x64xf32, #tpu.memory_space<vmem>>, vector<1x1x1x16xf32>,
        %parallel_loop3A_390 = vector.shape_cast %parallel_loop3A_389 : vector<1x1x1x16xf32> to vector<16xf32>
        %parallel_loop3A_391 = arith.constant 8.000000e+00 : f32
        %parallel_loop3A_392 = vector.broadcast %parallel_loop3A_391 : f32 to vector<16xf32>
        %parallel_loop3A_393 = arith.mulf %parallel_loop3A_390, %parallel_loop3A_392 : vector<16xf32>
        %parallel_loop3A_394 = arith.constant 1 : i32
        %parallel_loop3A_395 = arith.constant 0 : i32
        %parallel_loop3A_396 = arith.index_cast %parallel_loop3A_394 : i32 to index
        %parallel_loop3A_397 = arith.index_cast %parallel_loop3A_395 : i32 to index
        %parallel_loop3A_398 = arith.index_cast %parallel_loop3A_322 : i32 to index
        %parallel_loop3A_399 = arith.constant 48 : index
        %parallel_loop3A_400 = tpu.vector_load %arg6[%parallel_loop3A_396, %parallel_loop3A_397, %parallel_loop3A_398, %parallel_loop3A_399] {strides = array<i32>} : memref<4x1x200x64xf32, #tpu.memory_space<vmem>>, vector<1x1x1x16xf32>,
        %parallel_loop3A_401 = vector.shape_cast %parallel_loop3A_400 : vector<1x1x1x16xf32> to vector<16xf32>
        %parallel_loop3A_402 = vector.shape_cast %parallel_loop3A_393 : vector<16xf32> to vector<1x1x1x16xf32>
        tpu.vector_store %arg6[%parallel_loop3A_396, %parallel_loop3A_397, %parallel_loop3A_398, %parallel_loop3A_399], %parallel_loop3A_402 {strides = array<i32>} : memref<4x1x200x64xf32, #tpu.memory_space<vmem>>, vector<1x1x1x16xf32>,
      } {sc.loop_unroll_factor = 4 : i64, sc.parallel_access}
      %add3A_212 = arith.addi %mul3A_2, %add3A_185 : i32
      %dma_start3A_213 = arith.constant 1 : i32
      %dma_start3A_214 = arith.constant 0 : i32
      %dma_start3A_215 = arith.constant 0 : i32
      %dma_start3A_216 = arith.constant 0 : i32
      %dma_start3A_217 = tpu.memref_slice %arg6[%dma_start3A_213, %dma_start3A_214, %dma_start3A_215, %dma_start3A_216] : memref<4x1x200x64xf32, #tpu.memory_space<vmem>> -> memref<1x1x200x64xf32, #tpu.memory_space<vmem>>
      %dma_start3A_218 = tpu.memref_squeeze %dma_start3A_217 : memref<1x1x200x64xf32, #tpu.memory_space<vmem>> -> memref<1x200x64xf32, #tpu.memory_space<vmem>>
      %dma_start3A_219 = arith.constant 0 : i32
      %dma_start3A_220 = arith.constant 0 : i32
      %dma_start3A_221 = tpu.memref_slice %arg4[%add3A_212, %dma_start3A_219, %dma_start3A_220] : memref<4096x200x64xf32, #tpu.memory_space<hbm>> -> memref<1x200x64xf32, #tpu.memory_space<hbm>>
      %dma_start3A_222 = arith.constant 0 : i32
      %dma_start3A_223 = arith.constant 0 : i32
      %dma_start3A_224 = tpu.memref_slice %arg4[%add3A_212, %dma_start3A_222, %dma_start3A_223] : memref<4096x200x64xf32, #tpu.memory_space<hbm>> -> memref<1x200x64xf32, #tpu.memory_space<hbm>>
      %dma_start3A_225 = arith.constant 0 : i32
      %dma_start3A_226 = arith.constant 0 : i32
      %dma_start3A_227 = arith.constant 0 : i32
      %dma_start3A_228 = tpu.memref_slice %arg6[%dma_start3A_213, %dma_start3A_225, %dma_start3A_226, %dma_start3A_227] : memref<4x1x200x64xf32, #tpu.memory_space<vmem>> -> memref<1x1x200x64xf32, #tpu.memory_space<vmem>>
      %dma_start3A_229 = tpu.memref_squeeze %dma_start3A_228 : memref<1x1x200x64xf32, #tpu.memory_space<vmem>> -> memref<1x200x64xf32, #tpu.memory_space<vmem>>
      tpu.enqueue_dma source(%dma_start3A_229 : memref<1x200x64xf32, #tpu.memory_space<vmem>>) target(%dma_start3A_224 : memref<1x200x64xf32, #tpu.memory_space<hbm>>) target_semaphore(%arg12 : memref<!tpu.dma_semaphore, #tpu.memory_space<semaphore_mem>>)
      %add3A_230 = arith.constant 2 : i32
      %add3A_231 = arith.addi %mul3A_141, %add3A_230 : i32
      %add3A_232 = arith.constant 2 : i32
      %add3A_233 = arith.addi %add3A_231, %add3A_232 : i32
      %lt3A_234 = arith.constant 128 : i32
      %lt3A_235 = arith.cmpi slt, %add3A_233, %lt3A_234 : i32
      %convert_element_type3A_236 = arith.extui %lt3A_235 : i1 to i32
      %cond3A_237 = arith.constant 0 : i32
      %cond3A_238 = arith.cmpi ne, %convert_element_type3A_236, %cond3A_237 : i32
      scf.if %cond3A_238 {
        %ge3A = arith.constant 2 : i32
        %ge3A_322 = arith.cmpi sge, %add3A_231, %ge3A : i32
        %convert_element_type3A_323 = arith.extui %ge3A_322 : i1 to i32
        %cond3A_324 = arith.constant 0 : i32
        %cond3A_325 = arith.cmpi ne, %convert_element_type3A_323, %cond3A_324 : i32
        scf.if %cond3A_325 {
          %dma_wait3A_360 = arith.constant 0 : i32
          %dma_wait3A_361 = arith.constant 0 : i32
          %dma_wait3A_362 = arith.constant 0 : i32
          %dma_wait3A_363 = arith.constant 0 : i32
          %dma_wait3A_364 = tpu.memref_slice %arg6[%dma_wait3A_360, %dma_wait3A_361, %dma_wait3A_362, %dma_wait3A_363] : memref<4x1x200x64xf32, #tpu.memory_space<vmem>> -> memref<1x1x200x64xf32, #tpu.memory_space<vmem>>
          %dma_wait3A_365 = tpu.memref_squeeze %dma_wait3A_364 : memref<1x1x200x64xf32, #tpu.memory_space<vmem>> -> memref<1x200x64xf32, #tpu.memory_space<vmem>>
          %dma_wait3A_366 = arith.constant 0 : i32
          %dma_wait3A_367 = arith.constant 0 : i32
          %dma_wait3A_368 = arith.constant 0 : i32
          %dma_wait3A_369 = tpu.memref_slice %arg4[%dma_wait3A_366, %dma_wait3A_367, %dma_wait3A_368] : memref<4096x200x64xf32, #tpu.memory_space<hbm>> -> memref<1x200x64xf32, #tpu.memory_space<hbm>>
          %dma_wait3A_370 = arith.constant 0 : i32
          %dma_wait3A_371 = arith.constant 0 : i32
          %dma_wait3A_372 = arith.constant 0 : i32
          %dma_wait3A_373 = tpu.memref_slice %arg4[%dma_wait3A_370, %dma_wait3A_371, %dma_wait3A_372] : memref<4096x200x64xf32, #tpu.memory_space<hbm>> -> memref<1x200x64xf32, #tpu.memory_space<hbm>>
          %dma_wait3A_374 = arith.constant 0 : i32
          %dma_wait3A_375 = arith.constant 0 : i32
          %dma_wait3A_376 = arith.constant 0 : i32
          %dma_wait3A_377 = tpu.memref_slice %arg6[%dma_wait3A_360, %dma_wait3A_374, %dma_wait3A_375, %dma_wait3A_376] : memref<4x1x200x64xf32, #tpu.memory_space<vmem>> -> memref<1x1x200x64xf32, #tpu.memory_space<vmem>>
          %dma_wait3A_378 = tpu.memref_squeeze %dma_wait3A_377 : memref<1x1x200x64xf32, #tpu.memory_space<vmem>> -> memref<1x200x64xf32, #tpu.memory_space<vmem>>
          tpu.wait_dma2 semaphore(%arg11 : memref<!tpu.dma_semaphore, #tpu.memory_space<semaphore_mem>>) src(%dma_wait3A_378 : memref<1x200x64xf32, #tpu.memory_space<vmem>>) dst(%dma_wait3A_373 : memref<1x200x64xf32, #tpu.memory_space<hbm>>)
        } else {
        }
        %add3A_326 = arith.constant 2 : i32
        %add3A_327 = arith.addi %add3A_231, %add3A_326 : i32
        %mul3A_328 = arith.constant 2 : i32
        %mul3A_329 = arith.muli %add3A_327, %mul3A_328 : i32
        %add3A_330 = arith.constant 0 : i32
        %add3A_331 = arith.addi %mul3A_329, %add3A_330 : i32
        %dma_start3A_332 = arith.constant 0 : i32
        %dma_start3A_333 = arith.constant 0 : i32
        %dma_start3A_334 = arith.constant 0 : i32
        %dma_start3A_335 = arith.constant 0 : i32
        %dma_start3A_336 = tpu.memref_slice %arg6[%dma_start3A_332, %dma_start3A_333, %dma_start3A_334, %dma_start3A_335] : memref<4x1x200x64xf32, #tpu.memory_space<vmem>> -> memref<1x1x100x64xf32, #tpu.memory_space<vmem>>
        %dma_start3A_337 = tpu.memref_squeeze %dma_start3A_336 : memref<1x1x100x64xf32, #tpu.memory_space<vmem>> -> memref<100x64xf32, #tpu.memory_space<vmem>>
        %dma_start3A_338 = arith.constant 0 : i32
        %dma_start3A_339 = tpu.memref_slice %arg5[%add3A_331, %dma_start3A_338] : memref<256x100xi32, #tpu.memory_space<vmem>> -> memref<1x100xi32, #tpu.memory_space<vmem>>
        %dma_start3A_340 = tpu.memref_squeeze %dma_start3A_339 : memref<1x100xi32, #tpu.memory_space<vmem>> -> memref<100xi32, #tpu.memory_space<vmem>>
        %dma_start3A_341 = arith.constant 0 : i32
        %dma_start3A_342 = arith.constant 0 : i32
        %dma_start3A_343 = tpu.memref_slice %arg3[%dma_start3A_341, %dma_start3A_342] : memref<1000000x64xf32, #tpu.memory_space<hbm>> -> memref<1000000x64xf32, #tpu.memory_space<hbm>>
        tpu.enqueue_indirect_dma source(%dma_start3A_343 : memref<1000000x64xf32, #tpu.memory_space<hbm>>) target(%dma_start3A_337 : memref<100x64xf32, #tpu.memory_space<vmem>>) offsets(%dma_start3A_340 : memref<100xi32, #tpu.memory_space<vmem>>) semaphore(%arg7 : memref<!tpu.dma_semaphore, #tpu.memory_space<semaphore_mem>>)
        %mul3A_344 = arith.constant 2 : i32
        %mul3A_345 = arith.muli %add3A_327, %mul3A_344 : i32
        %add3A_346 = arith.constant 1 : i32
        %add3A_347 = arith.addi %mul3A_345, %add3A_346 : i32
        %dma_start3A_348 = arith.constant 0 : i32
        %dma_start3A_349 = arith.constant 0 : i32
        %dma_start3A_350 = arith.constant 100 : i32
        %dma_start3A_351 = arith.constant 0 : i32
        %dma_start3A_352 = tpu.memref_slice %arg6[%dma_start3A_348, %dma_start3A_349, %dma_start3A_350, %dma_start3A_351] : memref<4x1x200x64xf32, #tpu.memory_space<vmem>> -> memref<1x1x100x64xf32, #tpu.memory_space<vmem>>
        %dma_start3A_353 = tpu.memref_squeeze %dma_start3A_352 : memref<1x1x100x64xf32, #tpu.memory_space<vmem>> -> memref<100x64xf32, #tpu.memory_space<vmem>>
        %dma_start3A_354 = arith.constant 0 : i32
        %dma_start3A_355 = tpu.memref_slice %arg5[%add3A_347, %dma_start3A_354] : memref<256x100xi32, #tpu.memory_space<vmem>> -> memref<1x100xi32, #tpu.memory_space<vmem>>
        %dma_start3A_356 = tpu.memref_squeeze %dma_start3A_355 : memref<1x100xi32, #tpu.memory_space<vmem>> -> memref<100xi32, #tpu.memory_space<vmem>>
        %dma_start3A_357 = arith.constant 0 : i32
        %dma_start3A_358 = arith.constant 0 : i32
        %dma_start3A_359 = tpu.memref_slice %arg3[%dma_start3A_357, %dma_start3A_358] : memref<1000000x64xf32, #tpu.memory_space<hbm>> -> memref<1000000x64xf32, #tpu.memory_space<hbm>>
        tpu.enqueue_indirect_dma source(%dma_start3A_359 : memref<1000000x64xf32, #tpu.memory_space<hbm>>) target(%dma_start3A_353 : memref<100x64xf32, #tpu.memory_space<vmem>>) offsets(%dma_start3A_356 : memref<100xi32, #tpu.memory_space<vmem>>) semaphore(%arg7 : memref<!tpu.dma_semaphore, #tpu.memory_space<semaphore_mem>>)
      } else {
      }
      %dma_wait3A_239 = arith.constant 2 : i32
      %dma_wait3A_240 = arith.constant 0 : i32
      %dma_wait3A_241 = arith.constant 0 : i32
      %dma_wait3A_242 = arith.constant 0 : i32
      %dma_wait3A_243 = tpu.memref_slice %arg6[%dma_wait3A_239, %dma_wait3A_240, %dma_wait3A_241, %dma_wait3A_242] : memref<4x1x200x64xf32, #tpu.memory_space<vmem>> -> memref<1x1x200x64xf32, #tpu.memory_space<vmem>>
      %dma_wait3A_244 = tpu.memref_squeeze %dma_wait3A_243 : memref<1x1x200x64xf32, #tpu.memory_space<vmem>> -> memref<200x64xf32, #tpu.memory_space<vmem>>
      %dma_wait3A_245 = arith.constant 0 : i32
      %dma_wait3A_246 = arith.constant 0 : i32
      %dma_wait3A_247 = tpu.memref_slice %arg3[%dma_wait3A_245, %dma_wait3A_246] : memref<1000000x64xf32, #tpu.memory_space<hbm>> -> memref<200x64xf32, #tpu.memory_space<hbm>>
      %dma_wait3A_248 = arith.constant 0 : i32
      %dma_wait3A_249 = arith.constant 0 : i32
      %dma_wait3A_250 = tpu.memref_slice %arg6[%dma_wait3A_239, %dma_wait3A_240, %dma_wait3A_248, %dma_wait3A_249] : memref<4x1x200x64xf32, #tpu.memory_space<vmem>> -> memref<1x1x200x64xf32, #tpu.memory_space<vmem>>
      %dma_wait3A_251 = tpu.memref_squeeze %dma_wait3A_250 : memref<1x1x200x64xf32, #tpu.memory_space<vmem>> -> memref<200x64xf32, #tpu.memory_space<vmem>>
      %dma_wait3A_252 = arith.constant 0 : i32
      %dma_wait3A_253 = arith.constant 0 : i32
      %dma_wait3A_254 = tpu.memref_slice %arg3[%dma_wait3A_252, %dma_wait3A_253] : memref<1000000x64xf32, #tpu.memory_space<hbm>> -> memref<200x64xf32, #tpu.memory_space<hbm>>
      tpu.wait_dma2 semaphore(%arg9 : memref<!tpu.dma_semaphore, #tpu.memory_space<semaphore_mem>>) src(%dma_wait3A_254 : memref<200x64xf32, #tpu.memory_space<hbm>>) dst(%dma_wait3A_251 : memref<200x64xf32, #tpu.memory_space<vmem>>)
      %parallel_loop3A_255 = arith.constant 0 : i32
      %parallel_loop3A_256 = arith.constant 200 : i32
      %parallel_loop3A_257 = arith.constant 1 : i32
      scf.for %parallel_loop3A_322 = %parallel_loop3A_255 to %parallel_loop3A_256 step %parallel_loop3A_257  : i32 {
        %parallel_loop3A_323 = arith.constant 2 : i32
        %parallel_loop3A_324 = arith.constant 0 : i32
        %parallel_loop3A_325 = arith.index_cast %parallel_loop3A_323 : i32 to index
        %parallel_loop3A_326 = arith.index_cast %parallel_loop3A_324 : i32 to index
        %parallel_loop3A_327 = arith.index_cast %parallel_loop3A_322 : i32 to index
        %parallel_loop3A_328 = arith.constant 0 : index
        %parallel_loop3A_329 = tpu.vector_load %arg6[%parallel_loop3A_325, %parallel_loop3A_326, %parallel_loop3A_327, %parallel_loop3A_328] {strides = array<i32>} : memref<4x1x200x64xf32, #tpu.memory_space<vmem>>, vector<1x1x1x16xf32>,
        %parallel_loop3A_330 = vector.shape_cast %parallel_loop3A_329 : vector<1x1x1x16xf32> to vector<16xf32>
        %parallel_loop3A_331 = arith.constant 8.000000e+00 : f32
        %parallel_loop3A_332 = vector.broadcast %parallel_loop3A_331 : f32 to vector<16xf32>
        %parallel_loop3A_333 = arith.mulf %parallel_loop3A_330, %parallel_loop3A_332 : vector<16xf32>
        %parallel_loop3A_334 = arith.constant 2 : i32
        %parallel_loop3A_335 = arith.constant 0 : i32
        %parallel_loop3A_336 = arith.index_cast %parallel_loop3A_334 : i32 to index
        %parallel_loop3A_337 = arith.index_cast %parallel_loop3A_335 : i32 to index
        %parallel_loop3A_338 = arith.index_cast %parallel_loop3A_322 : i32 to index
        %parallel_loop3A_339 = arith.constant 0 : index
        %parallel_loop3A_340 = tpu.vector_load %arg6[%parallel_loop3A_336, %parallel_loop3A_337, %parallel_loop3A_338, %parallel_loop3A_339] {strides = array<i32>} : memref<4x1x200x64xf32, #tpu.memory_space<vmem>>, vector<1x1x1x16xf32>,
        %parallel_loop3A_341 = vector.shape_cast %parallel_loop3A_340 : vector<1x1x1x16xf32> to vector<16xf32>
        %parallel_loop3A_342 = vector.shape_cast %parallel_loop3A_333 : vector<16xf32> to vector<1x1x1x16xf32>
        tpu.vector_store %arg6[%parallel_loop3A_336, %parallel_loop3A_337, %parallel_loop3A_338, %parallel_loop3A_339], %parallel_loop3A_342 {strides = array<i32>} : memref<4x1x200x64xf32, #tpu.memory_space<vmem>>, vector<1x1x1x16xf32>,
        %parallel_loop3A_343 = arith.constant 2 : i32
        %parallel_loop3A_344 = arith.constant 0 : i32
        %parallel_loop3A_345 = arith.index_cast %parallel_loop3A_343 : i32 to index
        %parallel_loop3A_346 = arith.index_cast %parallel_loop3A_344 : i32 to index
        %parallel_loop3A_347 = arith.index_cast %parallel_loop3A_322 : i32 to index
        %parallel_loop3A_348 = arith.constant 16 : index
        %parallel_loop3A_349 = tpu.vector_load %arg6[%parallel_loop3A_345, %parallel_loop3A_346, %parallel_loop3A_347, %parallel_loop3A_348] {strides = array<i32>} : memref<4x1x200x64xf32, #tpu.memory_space<vmem>>, vector<1x1x1x16xf32>,
        %parallel_loop3A_350 = vector.shape_cast %parallel_loop3A_349 : vector<1x1x1x16xf32> to vector<16xf32>
        %parallel_loop3A_351 = arith.constant 8.000000e+00 : f32
        %parallel_loop3A_352 = vector.broadcast %parallel_loop3A_351 : f32 to vector<16xf32>
        %parallel_loop3A_353 = arith.mulf %parallel_loop3A_350, %parallel_loop3A_352 : vector<16xf32>
        %parallel_loop3A_354 = arith.constant 2 : i32
        %parallel_loop3A_355 = arith.constant 0 : i32
        %parallel_loop3A_356 = arith.index_cast %parallel_loop3A_354 : i32 to index
        %parallel_loop3A_357 = arith.index_cast %parallel_loop3A_355 : i32 to index
        %parallel_loop3A_358 = arith.index_cast %parallel_loop3A_322 : i32 to index
        %parallel_loop3A_359 = arith.constant 16 : index
        %parallel_loop3A_360 = tpu.vector_load %arg6[%parallel_loop3A_356, %parallel_loop3A_357, %parallel_loop3A_358, %parallel_loop3A_359] {strides = array<i32>} : memref<4x1x200x64xf32, #tpu.memory_space<vmem>>, vector<1x1x1x16xf32>,
        %parallel_loop3A_361 = vector.shape_cast %parallel_loop3A_360 : vector<1x1x1x16xf32> to vector<16xf32>
        %parallel_loop3A_362 = vector.shape_cast %parallel_loop3A_353 : vector<16xf32> to vector<1x1x1x16xf32>
        tpu.vector_store %arg6[%parallel_loop3A_356, %parallel_loop3A_357, %parallel_loop3A_358, %parallel_loop3A_359], %parallel_loop3A_362 {strides = array<i32>} : memref<4x1x200x64xf32, #tpu.memory_space<vmem>>, vector<1x1x1x16xf32>,
        %parallel_loop3A_363 = arith.constant 2 : i32
        %parallel_loop3A_364 = arith.constant 0 : i32
        %parallel_loop3A_365 = arith.index_cast %parallel_loop3A_363 : i32 to index
        %parallel_loop3A_366 = arith.index_cast %parallel_loop3A_364 : i32 to index
        %parallel_loop3A_367 = arith.index_cast %parallel_loop3A_322 : i32 to index
        %parallel_loop3A_368 = arith.constant 32 : index
        %parallel_loop3A_369 = tpu.vector_load %arg6[%parallel_loop3A_365, %parallel_loop3A_366, %parallel_loop3A_367, %parallel_loop3A_368] {strides = array<i32>} : memref<4x1x200x64xf32, #tpu.memory_space<vmem>>, vector<1x1x1x16xf32>,
        %parallel_loop3A_370 = vector.shape_cast %parallel_loop3A_369 : vector<1x1x1x16xf32> to vector<16xf32>
        %parallel_loop3A_371 = arith.constant 8.000000e+00 : f32
        %parallel_loop3A_372 = vector.broadcast %parallel_loop3A_371 : f32 to vector<16xf32>
        %parallel_loop3A_373 = arith.mulf %parallel_loop3A_370, %parallel_loop3A_372 : vector<16xf32>
        %parallel_loop3A_374 = arith.constant 2 : i32
        %parallel_loop3A_375 = arith.constant 0 : i32
        %parallel_loop3A_376 = arith.index_cast %parallel_loop3A_374 : i32 to index
        %parallel_loop3A_377 = arith.index_cast %parallel_loop3A_375 : i32 to index
        %parallel_loop3A_378 = arith.index_cast %parallel_loop3A_322 : i32 to index
        %parallel_loop3A_379 = arith.constant 32 : index
        %parallel_loop3A_380 = tpu.vector_load %arg6[%parallel_loop3A_376, %parallel_loop3A_377, %parallel_loop3A_378, %parallel_loop3A_379] {strides = array<i32>} : memref<4x1x200x64xf32, #tpu.memory_space<vmem>>, vector<1x1x1x16xf32>,
        %parallel_loop3A_381 = vector.shape_cast %parallel_loop3A_380 : vector<1x1x1x16xf32> to vector<16xf32>
        %parallel_loop3A_382 = vector.shape_cast %parallel_loop3A_373 : vector<16xf32> to vector<1x1x1x16xf32>
        tpu.vector_store %arg6[%parallel_loop3A_376, %parallel_loop3A_377, %parallel_loop3A_378, %parallel_loop3A_379], %parallel_loop3A_382 {strides = array<i32>} : memref<4x1x200x64xf32, #tpu.memory_space<vmem>>, vector<1x1x1x16xf32>,
        %parallel_loop3A_383 = arith.constant 2 : i32
        %parallel_loop3A_384 = arith.constant 0 : i32
        %parallel_loop3A_385 = arith.index_cast %parallel_loop3A_383 : i32 to index
        %parallel_loop3A_386 = arith.index_cast %parallel_loop3A_384 : i32 to index
        %parallel_loop3A_387 = arith.index_cast %parallel_loop3A_322 : i32 to index
        %parallel_loop3A_388 = arith.constant 48 : index
        %parallel_loop3A_389 = tpu.vector_load %arg6[%parallel_loop3A_385, %parallel_loop3A_386, %parallel_loop3A_387, %parallel_loop3A_388] {strides = array<i32>} : memref<4x1x200x64xf32, #tpu.memory_space<vmem>>, vector<1x1x1x16xf32>,
        %parallel_loop3A_390 = vector.shape_cast %parallel_loop3A_389 : vector<1x1x1x16xf32> to vector<16xf32>
        %parallel_loop3A_391 = arith.constant 8.000000e+00 : f32
        %parallel_loop3A_392 = vector.broadcast %parallel_loop3A_391 : f32 to vector<16xf32>
        %parallel_loop3A_393 = arith.mulf %parallel_loop3A_390, %parallel_loop3A_392 : vector<16xf32>
        %parallel_loop3A_394 = arith.constant 2 : i32
        %parallel_loop3A_395 = arith.constant 0 : i32
        %parallel_loop3A_396 = arith.index_cast %parallel_loop3A_394 : i32 to index
        %parallel_loop3A_397 = arith.index_cast %parallel_loop3A_395 : i32 to index
        %parallel_loop3A_398 = arith.index_cast %parallel_loop3A_322 : i32 to index
        %parallel_loop3A_399 = arith.constant 48 : index
        %parallel_loop3A_400 = tpu.vector_load %arg6[%parallel_loop3A_396, %parallel_loop3A_397, %parallel_loop3A_398, %parallel_loop3A_399] {strides = array<i32>} : memref<4x1x200x64xf32, #tpu.memory_space<vmem>>, vector<1x1x1x16xf32>,
        %parallel_loop3A_401 = vector.shape_cast %parallel_loop3A_400 : vector<1x1x1x16xf32> to vector<16xf32>
        %parallel_loop3A_402 = vector.shape_cast %parallel_loop3A_393 : vector<16xf32> to vector<1x1x1x16xf32>
        tpu.vector_store %arg6[%parallel_loop3A_396, %parallel_loop3A_397, %parallel_loop3A_398, %parallel_loop3A_399], %parallel_loop3A_402 {strides = array<i32>} : memref<4x1x200x64xf32, #tpu.memory_space<vmem>>, vector<1x1x1x16xf32>,
      } {sc.loop_unroll_factor = 4 : i64, sc.parallel_access}
      %add3A_258 = arith.addi %mul3A_2, %add3A_231 : i32
      %dma_start3A_259 = arith.constant 2 : i32
      %dma_start3A_260 = arith.constant 0 : i32
      %dma_start3A_261 = arith.constant 0 : i32
      %dma_start3A_262 = arith.constant 0 : i32
      %dma_start3A_263 = tpu.memref_slice %arg6[%dma_start3A_259, %dma_start3A_260, %dma_start3A_261, %dma_start3A_262] : memref<4x1x200x64xf32, #tpu.memory_space<vmem>> -> memref<1x1x200x64xf32, #tpu.memory_space<vmem>>
      %dma_start3A_264 = tpu.memref_squeeze %dma_start3A_263 : memref<1x1x200x64xf32, #tpu.memory_space<vmem>> -> memref<1x200x64xf32, #tpu.memory_space<vmem>>
      %dma_start3A_265 = arith.constant 0 : i32
      %dma_start3A_266 = arith.constant 0 : i32
      %dma_start3A_267 = tpu.memref_slice %arg4[%add3A_258, %dma_start3A_265, %dma_start3A_266] : memref<4096x200x64xf32, #tpu.memory_space<hbm>> -> memref<1x200x64xf32, #tpu.memory_space<hbm>>
      %dma_start3A_268 = arith.constant 0 : i32
      %dma_start3A_269 = arith.constant 0 : i32
      %dma_start3A_270 = tpu.memref_slice %arg4[%add3A_258, %dma_start3A_268, %dma_start3A_269] : memref<4096x200x64xf32, #tpu.memory_space<hbm>> -> memref<1x200x64xf32, #tpu.memory_space<hbm>>
      %dma_start3A_271 = arith.constant 0 : i32
      %dma_start3A_272 = arith.constant 0 : i32
      %dma_start3A_273 = arith.constant 0 : i32
      %dma_start3A_274 = tpu.memref_slice %arg6[%dma_start3A_259, %dma_start3A_271, %dma_start3A_272, %dma_start3A_273] : memref<4x1x200x64xf32, #tpu.memory_space<vmem>> -> memref<1x1x200x64xf32, #tpu.memory_space<vmem>>
      %dma_start3A_275 = tpu.memref_squeeze %dma_start3A_274 : memref<1x1x200x64xf32, #tpu.memory_space<vmem>> -> memref<1x200x64xf32, #tpu.memory_space<vmem>>
      tpu.enqueue_dma source(%dma_start3A_275 : memref<1x200x64xf32, #tpu.memory_space<vmem>>) target(%dma_start3A_270 : memref<1x200x64xf32, #tpu.memory_space<hbm>>) target_semaphore(%arg13 : memref<!tpu.dma_semaphore, #tpu.memory_space<semaphore_mem>>)
      %add3A_276 = arith.constant 3 : i32
      %add3A_277 = arith.addi %mul3A_141, %add3A_276 : i32
      %add3A_278 = arith.constant 2 : i32
      %add3A_279 = arith.addi %add3A_277, %add3A_278 : i32
      %lt3A_280 = arith.constant 128 : i32
      %lt3A_281 = arith.cmpi slt, %add3A_279, %lt3A_280 : i32
      %convert_element_type3A_282 = arith.extui %lt3A_281 : i1 to i32
      %cond3A_283 = arith.constant 0 : i32
      %cond3A_284 = arith.cmpi ne, %convert_element_type3A_282, %cond3A_283 : i32
      scf.if %cond3A_284 {
        %ge3A = arith.constant 2 : i32
        %ge3A_322 = arith.cmpi sge, %add3A_277, %ge3A : i32
        %convert_element_type3A_323 = arith.extui %ge3A_322 : i1 to i32
        %cond3A_324 = arith.constant 0 : i32
        %cond3A_325 = arith.cmpi ne, %convert_element_type3A_323, %cond3A_324 : i32
        scf.if %cond3A_325 {
          %dma_wait3A_360 = arith.constant 1 : i32
          %dma_wait3A_361 = arith.constant 0 : i32
          %dma_wait3A_362 = arith.constant 0 : i32
          %dma_wait3A_363 = arith.constant 0 : i32
          %dma_wait3A_364 = tpu.memref_slice %arg6[%dma_wait3A_360, %dma_wait3A_361, %dma_wait3A_362, %dma_wait3A_363] : memref<4x1x200x64xf32, #tpu.memory_space<vmem>> -> memref<1x1x200x64xf32, #tpu.memory_space<vmem>>
          %dma_wait3A_365 = tpu.memref_squeeze %dma_wait3A_364 : memref<1x1x200x64xf32, #tpu.memory_space<vmem>> -> memref<1x200x64xf32, #tpu.memory_space<vmem>>
          %dma_wait3A_366 = arith.constant 0 : i32
          %dma_wait3A_367 = arith.constant 0 : i32
          %dma_wait3A_368 = arith.constant 0 : i32
          %dma_wait3A_369 = tpu.memref_slice %arg4[%dma_wait3A_366, %dma_wait3A_367, %dma_wait3A_368] : memref<4096x200x64xf32, #tpu.memory_space<hbm>> -> memref<1x200x64xf32, #tpu.memory_space<hbm>>
          %dma_wait3A_370 = arith.constant 0 : i32
          %dma_wait3A_371 = arith.constant 0 : i32
          %dma_wait3A_372 = arith.constant 0 : i32
          %dma_wait3A_373 = tpu.memref_slice %arg4[%dma_wait3A_370, %dma_wait3A_371, %dma_wait3A_372] : memref<4096x200x64xf32, #tpu.memory_space<hbm>> -> memref<1x200x64xf32, #tpu.memory_space<hbm>>
          %dma_wait3A_374 = arith.constant 0 : i32
          %dma_wait3A_375 = arith.constant 0 : i32
          %dma_wait3A_376 = arith.constant 0 : i32
          %dma_wait3A_377 = tpu.memref_slice %arg6[%dma_wait3A_360, %dma_wait3A_374, %dma_wait3A_375, %dma_wait3A_376] : memref<4x1x200x64xf32, #tpu.memory_space<vmem>> -> memref<1x1x200x64xf32, #tpu.memory_space<vmem>>
          %dma_wait3A_378 = tpu.memref_squeeze %dma_wait3A_377 : memref<1x1x200x64xf32, #tpu.memory_space<vmem>> -> memref<1x200x64xf32, #tpu.memory_space<vmem>>
          tpu.wait_dma2 semaphore(%arg12 : memref<!tpu.dma_semaphore, #tpu.memory_space<semaphore_mem>>) src(%dma_wait3A_378 : memref<1x200x64xf32, #tpu.memory_space<vmem>>) dst(%dma_wait3A_373 : memref<1x200x64xf32, #tpu.memory_space<hbm>>)
        } else {
        }
        %add3A_326 = arith.constant 2 : i32
        %add3A_327 = arith.addi %add3A_277, %add3A_326 : i32
        %mul3A_328 = arith.constant 2 : i32
        %mul3A_329 = arith.muli %add3A_327, %mul3A_328 : i32
        %add3A_330 = arith.constant 0 : i32
        %add3A_331 = arith.addi %mul3A_329, %add3A_330 : i32
        %dma_start3A_332 = arith.constant 1 : i32
        %dma_start3A_333 = arith.constant 0 : i32
        %dma_start3A_334 = arith.constant 0 : i32
        %dma_start3A_335 = arith.constant 0 : i32
        %dma_start3A_336 = tpu.memref_slice %arg6[%dma_start3A_332, %dma_start3A_333, %dma_start3A_334, %dma_start3A_335] : memref<4x1x200x64xf32, #tpu.memory_space<vmem>> -> memref<1x1x100x64xf32, #tpu.memory_space<vmem>>
        %dma_start3A_337 = tpu.memref_squeeze %dma_start3A_336 : memref<1x1x100x64xf32, #tpu.memory_space<vmem>> -> memref<100x64xf32, #tpu.memory_space<vmem>>
        %dma_start3A_338 = arith.constant 0 : i32
        %dma_start3A_339 = tpu.memref_slice %arg5[%add3A_331, %dma_start3A_338] : memref<256x100xi32, #tpu.memory_space<vmem>> -> memref<1x100xi32, #tpu.memory_space<vmem>>
        %dma_start3A_340 = tpu.memref_squeeze %dma_start3A_339 : memref<1x100xi32, #tpu.memory_space<vmem>> -> memref<100xi32, #tpu.memory_space<vmem>>
        %dma_start3A_341 = arith.constant 0 : i32
        %dma_start3A_342 = arith.constant 0 : i32
        %dma_start3A_343 = tpu.memref_slice %arg3[%dma_start3A_341, %dma_start3A_342] : memref<1000000x64xf32, #tpu.memory_space<hbm>> -> memref<1000000x64xf32, #tpu.memory_space<hbm>>
        tpu.enqueue_indirect_dma source(%dma_start3A_343 : memref<1000000x64xf32, #tpu.memory_space<hbm>>) target(%dma_start3A_337 : memref<100x64xf32, #tpu.memory_space<vmem>>) offsets(%dma_start3A_340 : memref<100xi32, #tpu.memory_space<vmem>>) semaphore(%arg8 : memref<!tpu.dma_semaphore, #tpu.memory_space<semaphore_mem>>)
        %mul3A_344 = arith.constant 2 : i32
        %mul3A_345 = arith.muli %add3A_327, %mul3A_344 : i32
        %add3A_346 = arith.constant 1 : i32
        %add3A_347 = arith.addi %mul3A_345, %add3A_346 : i32
        %dma_start3A_348 = arith.constant 1 : i32
        %dma_start3A_349 = arith.constant 0 : i32
        %dma_start3A_350 = arith.constant 100 : i32
        %dma_start3A_351 = arith.constant 0 : i32
        %dma_start3A_352 = tpu.memref_slice %arg6[%dma_start3A_348, %dma_start3A_349, %dma_start3A_350, %dma_start3A_351] : memref<4x1x200x64xf32, #tpu.memory_space<vmem>> -> memref<1x1x100x64xf32, #tpu.memory_space<vmem>>
        %dma_start3A_353 = tpu.memref_squeeze %dma_start3A_352 : memref<1x1x100x64xf32, #tpu.memory_space<vmem>> -> memref<100x64xf32, #tpu.memory_space<vmem>>
        %dma_start3A_354 = arith.constant 0 : i32
        %dma_start3A_355 = tpu.memref_slice %arg5[%add3A_347, %dma_start3A_354] : memref<256x100xi32, #tpu.memory_space<vmem>> -> memref<1x100xi32, #tpu.memory_space<vmem>>
        %dma_start3A_356 = tpu.memref_squeeze %dma_start3A_355 : memref<1x100xi32, #tpu.memory_space<vmem>> -> memref<100xi32, #tpu.memory_space<vmem>>
        %dma_start3A_357 = arith.constant 0 : i32
        %dma_start3A_358 = arith.constant 0 : i32
        %dma_start3A_359 = tpu.memref_slice %arg3[%dma_start3A_357, %dma_start3A_358] : memref<1000000x64xf32, #tpu.memory_space<hbm>> -> memref<1000000x64xf32, #tpu.memory_space<hbm>>
        tpu.enqueue_indirect_dma source(%dma_start3A_359 : memref<1000000x64xf32, #tpu.memory_space<hbm>>) target(%dma_start3A_353 : memref<100x64xf32, #tpu.memory_space<vmem>>) offsets(%dma_start3A_356 : memref<100xi32, #tpu.memory_space<vmem>>) semaphore(%arg8 : memref<!tpu.dma_semaphore, #tpu.memory_space<semaphore_mem>>)
      } else {
      }
      %dma_wait3A_285 = arith.constant 3 : i32
      %dma_wait3A_286 = arith.constant 0 : i32
      %dma_wait3A_287 = arith.constant 0 : i32
      %dma_wait3A_288 = arith.constant 0 : i32
      %dma_wait3A_289 = tpu.memref_slice %arg6[%dma_wait3A_285, %dma_wait3A_286, %dma_wait3A_287, %dma_wait3A_288] : memref<4x1x200x64xf32, #tpu.memory_space<vmem>> -> memref<1x1x200x64xf32, #tpu.memory_space<vmem>>
      %dma_wait3A_290 = tpu.memref_squeeze %dma_wait3A_289 : memref<1x1x200x64xf32, #tpu.memory_space<vmem>> -> memref<200x64xf32, #tpu.memory_space<vmem>>
      %dma_wait3A_291 = arith.constant 0 : i32
      %dma_wait3A_292 = arith.constant 0 : i32
      %dma_wait3A_293 = tpu.memref_slice %arg3[%dma_wait3A_291, %dma_wait3A_292] : memref<1000000x64xf32, #tpu.memory_space<hbm>> -> memref<200x64xf32, #tpu.memory_space<hbm>>
      %dma_wait3A_294 = arith.constant 0 : i32
      %dma_wait3A_295 = arith.constant 0 : i32
      %dma_wait3A_296 = tpu.memref_slice %arg6[%dma_wait3A_285, %dma_wait3A_286, %dma_wait3A_294, %dma_wait3A_295] : memref<4x1x200x64xf32, #tpu.memory_space<vmem>> -> memref<1x1x200x64xf32, #tpu.memory_space<vmem>>
      %dma_wait3A_297 = tpu.memref_squeeze %dma_wait3A_296 : memref<1x1x200x64xf32, #tpu.memory_space<vmem>> -> memref<200x64xf32, #tpu.memory_space<vmem>>
      %dma_wait3A_298 = arith.constant 0 : i32
      %dma_wait3A_299 = arith.constant 0 : i32
      %dma_wait3A_300 = tpu.memref_slice %arg3[%dma_wait3A_298, %dma_wait3A_299] : memref<1000000x64xf32, #tpu.memory_space<hbm>> -> memref<200x64xf32, #tpu.memory_space<hbm>>
      tpu.wait_dma2 semaphore(%arg10 : memref<!tpu.dma_semaphore, #tpu.memory_space<semaphore_mem>>) src(%dma_wait3A_300 : memref<200x64xf32, #tpu.memory_space<hbm>>) dst(%dma_wait3A_297 : memref<200x64xf32, #tpu.memory_space<vmem>>)
      %parallel_loop3A_301 = arith.constant 0 : i32
      %parallel_loop3A_302 = arith.constant 200 : i32
      %parallel_loop3A_303 = arith.constant 1 : i32
      scf.for %parallel_loop3A_322 = %parallel_loop3A_301 to %parallel_loop3A_302 step %parallel_loop3A_303  : i32 {
        %parallel_loop3A_323 = arith.constant 3 : i32
        %parallel_loop3A_324 = arith.constant 0 : i32
        %parallel_loop3A_325 = arith.index_cast %parallel_loop3A_323 : i32 to index
        %parallel_loop3A_326 = arith.index_cast %parallel_loop3A_324 : i32 to index
        %parallel_loop3A_327 = arith.index_cast %parallel_loop3A_322 : i32 to index
        %parallel_loop3A_328 = arith.constant 0 : index
        %parallel_loop3A_329 = tpu.vector_load %arg6[%parallel_loop3A_325, %parallel_loop3A_326, %parallel_loop3A_327, %parallel_loop3A_328] {strides = array<i32>} : memref<4x1x200x64xf32, #tpu.memory_space<vmem>>, vector<1x1x1x16xf32>,
        %parallel_loop3A_330 = vector.shape_cast %parallel_loop3A_329 : vector<1x1x1x16xf32> to vector<16xf32>
        %parallel_loop3A_331 = arith.constant 8.000000e+00 : f32
        %parallel_loop3A_332 = vector.broadcast %parallel_loop3A_331 : f32 to vector<16xf32>
        %parallel_loop3A_333 = arith.mulf %parallel_loop3A_330, %parallel_loop3A_332 : vector<16xf32>
        %parallel_loop3A_334 = arith.constant 3 : i32
        %parallel_loop3A_335 = arith.constant 0 : i32
        %parallel_loop3A_336 = arith.index_cast %parallel_loop3A_334 : i32 to index
        %parallel_loop3A_337 = arith.index_cast %parallel_loop3A_335 : i32 to index
        %parallel_loop3A_338 = arith.index_cast %parallel_loop3A_322 : i32 to index
        %parallel_loop3A_339 = arith.constant 0 : index
        %parallel_loop3A_340 = tpu.vector_load %arg6[%parallel_loop3A_336, %parallel_loop3A_337, %parallel_loop3A_338, %parallel_loop3A_339] {strides = array<i32>} : memref<4x1x200x64xf32, #tpu.memory_space<vmem>>, vector<1x1x1x16xf32>,
        %parallel_loop3A_341 = vector.shape_cast %parallel_loop3A_340 : vector<1x1x1x16xf32> to vector<16xf32>
        %parallel_loop3A_342 = vector.shape_cast %parallel_loop3A_333 : vector<16xf32> to vector<1x1x1x16xf32>
        tpu.vector_store %arg6[%parallel_loop3A_336, %parallel_loop3A_337, %parallel_loop3A_338, %parallel_loop3A_339], %parallel_loop3A_342 {strides = array<i32>} : memref<4x1x200x64xf32, #tpu.memory_space<vmem>>, vector<1x1x1x16xf32>,
        %parallel_loop3A_343 = arith.constant 3 : i32
        %parallel_loop3A_344 = arith.constant 0 : i32
        %parallel_loop3A_345 = arith.index_cast %parallel_loop3A_343 : i32 to index
        %parallel_loop3A_346 = arith.index_cast %parallel_loop3A_344 : i32 to index
        %parallel_loop3A_347 = arith.index_cast %parallel_loop3A_322 : i32 to index
        %parallel_loop3A_348 = arith.constant 16 : index
        %parallel_loop3A_349 = tpu.vector_load %arg6[%parallel_loop3A_345, %parallel_loop3A_346, %parallel_loop3A_347, %parallel_loop3A_348] {strides = array<i32>} : memref<4x1x200x64xf32, #tpu.memory_space<vmem>>, vector<1x1x1x16xf32>,
        %parallel_loop3A_350 = vector.shape_cast %parallel_loop3A_349 : vector<1x1x1x16xf32> to vector<16xf32>
        %parallel_loop3A_351 = arith.constant 8.000000e+00 : f32
        %parallel_loop3A_352 = vector.broadcast %parallel_loop3A_351 : f32 to vector<16xf32>
        %parallel_loop3A_353 = arith.mulf %parallel_loop3A_350, %parallel_loop3A_352 : vector<16xf32>
        %parallel_loop3A_354 = arith.constant 3 : i32
        %parallel_loop3A_355 = arith.constant 0 : i32
        %parallel_loop3A_356 = arith.index_cast %parallel_loop3A_354 : i32 to index
        %parallel_loop3A_357 = arith.index_cast %parallel_loop3A_355 : i32 to index
        %parallel_loop3A_358 = arith.index_cast %parallel_loop3A_322 : i32 to index
        %parallel_loop3A_359 = arith.constant 16 : index
        %parallel_loop3A_360 = tpu.vector_load %arg6[%parallel_loop3A_356, %parallel_loop3A_357, %parallel_loop3A_358, %parallel_loop3A_359] {strides = array<i32>} : memref<4x1x200x64xf32, #tpu.memory_space<vmem>>, vector<1x1x1x16xf32>,
        %parallel_loop3A_361 = vector.shape_cast %parallel_loop3A_360 : vector<1x1x1x16xf32> to vector<16xf32>
        %parallel_loop3A_362 = vector.shape_cast %parallel_loop3A_353 : vector<16xf32> to vector<1x1x1x16xf32>
        tpu.vector_store %arg6[%parallel_loop3A_356, %parallel_loop3A_357, %parallel_loop3A_358, %parallel_loop3A_359], %parallel_loop3A_362 {strides = array<i32>} : memref<4x1x200x64xf32, #tpu.memory_space<vmem>>, vector<1x1x1x16xf32>,
        %parallel_loop3A_363 = arith.constant 3 : i32
        %parallel_loop3A_364 = arith.constant 0 : i32
        %parallel_loop3A_365 = arith.index_cast %parallel_loop3A_363 : i32 to index
        %parallel_loop3A_366 = arith.index_cast %parallel_loop3A_364 : i32 to index
        %parallel_loop3A_367 = arith.index_cast %parallel_loop3A_322 : i32 to index
        %parallel_loop3A_368 = arith.constant 32 : index
        %parallel_loop3A_369 = tpu.vector_load %arg6[%parallel_loop3A_365, %parallel_loop3A_366, %parallel_loop3A_367, %parallel_loop3A_368] {strides = array<i32>} : memref<4x1x200x64xf32, #tpu.memory_space<vmem>>, vector<1x1x1x16xf32>,
        %parallel_loop3A_370 = vector.shape_cast %parallel_loop3A_369 : vector<1x1x1x16xf32> to vector<16xf32>
        %parallel_loop3A_371 = arith.constant 8.000000e+00 : f32
        %parallel_loop3A_372 = vector.broadcast %parallel_loop3A_371 : f32 to vector<16xf32>
        %parallel_loop3A_373 = arith.mulf %parallel_loop3A_370, %parallel_loop3A_372 : vector<16xf32>
        %parallel_loop3A_374 = arith.constant 3 : i32
        %parallel_loop3A_375 = arith.constant 0 : i32
        %parallel_loop3A_376 = arith.index_cast %parallel_loop3A_374 : i32 to index
        %parallel_loop3A_377 = arith.index_cast %parallel_loop3A_375 : i32 to index
        %parallel_loop3A_378 = arith.index_cast %parallel_loop3A_322 : i32 to index
        %parallel_loop3A_379 = arith.constant 32 : index
        %parallel_loop3A_380 = tpu.vector_load %arg6[%parallel_loop3A_376, %parallel_loop3A_377, %parallel_loop3A_378, %parallel_loop3A_379] {strides = array<i32>} : memref<4x1x200x64xf32, #tpu.memory_space<vmem>>, vector<1x1x1x16xf32>,
        %parallel_loop3A_381 = vector.shape_cast %parallel_loop3A_380 : vector<1x1x1x16xf32> to vector<16xf32>
        %parallel_loop3A_382 = vector.shape_cast %parallel_loop3A_373 : vector<16xf32> to vector<1x1x1x16xf32>
        tpu.vector_store %arg6[%parallel_loop3A_376, %parallel_loop3A_377, %parallel_loop3A_378, %parallel_loop3A_379], %parallel_loop3A_382 {strides = array<i32>} : memref<4x1x200x64xf32, #tpu.memory_space<vmem>>, vector<1x1x1x16xf32>,
        %parallel_loop3A_383 = arith.constant 3 : i32
        %parallel_loop3A_384 = arith.constant 0 : i32
        %parallel_loop3A_385 = arith.index_cast %parallel_loop3A_383 : i32 to index
        %parallel_loop3A_386 = arith.index_cast %parallel_loop3A_384 : i32 to index
        %parallel_loop3A_387 = arith.index_cast %parallel_loop3A_322 : i32 to index
        %parallel_loop3A_388 = arith.constant 48 : index
        %parallel_loop3A_389 = tpu.vector_load %arg6[%parallel_loop3A_385, %parallel_loop3A_386, %parallel_loop3A_387, %parallel_loop3A_388] {strides = array<i32>} : memref<4x1x200x64xf32, #tpu.memory_space<vmem>>, vector<1x1x1x16xf32>,
        %parallel_loop3A_390 = vector.shape_cast %parallel_loop3A_389 : vector<1x1x1x16xf32> to vector<16xf32>
        %parallel_loop3A_391 = arith.constant 8.000000e+00 : f32
        %parallel_loop3A_392 = vector.broadcast %parallel_loop3A_391 : f32 to vector<16xf32>
        %parallel_loop3A_393 = arith.mulf %parallel_loop3A_390, %parallel_loop3A_392 : vector<16xf32>
        %parallel_loop3A_394 = arith.constant 3 : i32
        %parallel_loop3A_395 = arith.constant 0 : i32
        %parallel_loop3A_396 = arith.index_cast %parallel_loop3A_394 : i32 to index
        %parallel_loop3A_397 = arith.index_cast %parallel_loop3A_395 : i32 to index
        %parallel_loop3A_398 = arith.index_cast %parallel_loop3A_322 : i32 to index
        %parallel_loop3A_399 = arith.constant 48 : index
        %parallel_loop3A_400 = tpu.vector_load %arg6[%parallel_loop3A_396, %parallel_loop3A_397, %parallel_loop3A_398, %parallel_loop3A_399] {strides = array<i32>} : memref<4x1x200x64xf32, #tpu.memory_space<vmem>>, vector<1x1x1x16xf32>,
        %parallel_loop3A_401 = vector.shape_cast %parallel_loop3A_400 : vector<1x1x1x16xf32> to vector<16xf32>
        %parallel_loop3A_402 = vector.shape_cast %parallel_loop3A_393 : vector<16xf32> to vector<1x1x1x16xf32>
        tpu.vector_store %arg6[%parallel_loop3A_396, %parallel_loop3A_397, %parallel_loop3A_398, %parallel_loop3A_399], %parallel_loop3A_402 {strides = array<i32>} : memref<4x1x200x64xf32, #tpu.memory_space<vmem>>, vector<1x1x1x16xf32>,
      } {sc.loop_unroll_factor = 4 : i64, sc.parallel_access}
      %add3A_304 = arith.addi %mul3A_2, %add3A_277 : i32
      %dma_start3A_305 = arith.constant 3 : i32
      %dma_start3A_306 = arith.constant 0 : i32
      %dma_start3A_307 = arith.constant 0 : i32
      %dma_start3A_308 = arith.constant 0 : i32
      %dma_start3A_309 = tpu.memref_slice %arg6[%dma_start3A_305, %dma_start3A_306, %dma_start3A_307, %dma_start3A_308] : memref<4x1x200x64xf32, #tpu.memory_space<vmem>> -> memref<1x1x200x64xf32, #tpu.memory_space<vmem>>
      %dma_start3A_310 = tpu.memref_squeeze %dma_start3A_309 : memref<1x1x200x64xf32, #tpu.memory_space<vmem>> -> memref<1x200x64xf32, #tpu.memory_space<vmem>>
      %dma_start3A_311 = arith.constant 0 : i32
      %dma_start3A_312 = arith.constant 0 : i32
      %dma_start3A_313 = tpu.memref_slice %arg4[%add3A_304, %dma_start3A_311, %dma_start3A_312] : memref<4096x200x64xf32, #tpu.memory_space<hbm>> -> memref<1x200x64xf32, #tpu.memory_space<hbm>>
      %dma_start3A_314 = arith.constant 0 : i32
      %dma_start3A_315 = arith.constant 0 : i32
      %dma_start3A_316 = tpu.memref_slice %arg4[%add3A_304, %dma_start3A_314, %dma_start3A_315] : memref<4096x200x64xf32, #tpu.memory_space<hbm>> -> memref<1x200x64xf32, #tpu.memory_space<hbm>>
      %dma_start3A_317 = arith.constant 0 : i32
      %dma_start3A_318 = arith.constant 0 : i32
      %dma_start3A_319 = arith.constant 0 : i32
      %dma_start3A_320 = tpu.memref_slice %arg6[%dma_start3A_305, %dma_start3A_317, %dma_start3A_318, %dma_start3A_319] : memref<4x1x200x64xf32, #tpu.memory_space<vmem>> -> memref<1x1x200x64xf32, #tpu.memory_space<vmem>>
      %dma_start3A_321 = tpu.memref_squeeze %dma_start3A_320 : memref<1x1x200x64xf32, #tpu.memory_space<vmem>> -> memref<1x200x64xf32, #tpu.memory_space<vmem>>
      tpu.enqueue_dma source(%dma_start3A_321 : memref<1x200x64xf32, #tpu.memory_space<vmem>>) target(%dma_start3A_316 : memref<1x200x64xf32, #tpu.memory_space<hbm>>) target_semaphore(%arg14 : memref<!tpu.dma_semaphore, #tpu.memory_space<semaphore_mem>>)
    }
    %scan3A_59 = arith.constant 32 : i32
    %dma_wait3A = arith.constant 0 : i32
    %dma_wait3A_60 = arith.constant 0 : i32
    %dma_wait3A_61 = arith.constant 0 : i32
    %dma_wait3A_62 = arith.constant 0 : i32
    %dma_wait3A_63 = tpu.memref_slice %arg6[%dma_wait3A, %dma_wait3A_60, %dma_wait3A_61, %dma_wait3A_62] : memref<4x1x200x64xf32, #tpu.memory_space<vmem>> -> memref<1x1x200x64xf32, #tpu.memory_space<vmem>>
    %dma_wait3A_64 = tpu.memref_squeeze %dma_wait3A_63 : memref<1x1x200x64xf32, #tpu.memory_space<vmem>> -> memref<1x200x64xf32, #tpu.memory_space<vmem>>
    %dma_wait3A_65 = arith.constant 0 : i32
    %dma_wait3A_66 = arith.constant 0 : i32
    %dma_wait3A_67 = arith.constant 0 : i32
    %dma_wait3A_68 = tpu.memref_slice %arg4[%dma_wait3A_65, %dma_wait3A_66, %dma_wait3A_67] : memref<4096x200x64xf32, #tpu.memory_space<hbm>> -> memref<1x200x64xf32, #tpu.memory_space<hbm>>
    %dma_wait3A_69 = arith.constant 0 : i32
    %dma_wait3A_70 = arith.constant 0 : i32
    %dma_wait3A_71 = arith.constant 0 : i32
    %dma_wait3A_72 = tpu.memref_slice %arg4[%dma_wait3A_69, %dma_wait3A_70, %dma_wait3A_71] : memref<4096x200x64xf32, #tpu.memory_space<hbm>> -> memref<1x200x64xf32, #tpu.memory_space<hbm>>
    %dma_wait3A_73 = arith.constant 0 : i32
    %dma_wait3A_74 = arith.constant 0 : i32
    %dma_wait3A_75 = arith.constant 0 : i32
    %dma_wait3A_76 = tpu.memref_slice %arg6[%dma_wait3A, %dma_wait3A_73, %dma_wait3A_74, %dma_wait3A_75] : memref<4x1x200x64xf32, #tpu.memory_space<vmem>> -> memref<1x1x200x64xf32, #tpu.memory_space<vmem>>
    %dma_wait3A_77 = tpu.memref_squeeze %dma_wait3A_76 : memref<1x1x200x64xf32, #tpu.memory_space<vmem>> -> memref<1x200x64xf32, #tpu.memory_space<vmem>>
    tpu.wait_dma2 semaphore(%arg11 : memref<!tpu.dma_semaphore, #tpu.memory_space<semaphore_mem>>) src(%dma_wait3A_77 : memref<1x200x64xf32, #tpu.memory_space<vmem>>) dst(%dma_wait3A_72 : memref<1x200x64xf32, #tpu.memory_space<hbm>>)
    %dma_wait3A_78 = arith.constant 1 : i32
    %dma_wait3A_79 = arith.constant 0 : i32
    %dma_wait3A_80 = arith.constant 0 : i32
    %dma_wait3A_81 = arith.constant 0 : i32
    %dma_wait3A_82 = tpu.memref_slice %arg6[%dma_wait3A_78, %dma_wait3A_79, %dma_wait3A_80, %dma_wait3A_81] : memref<4x1x200x64xf32, #tpu.memory_space<vmem>> -> memref<1x1x200x64xf32, #tpu.memory_space<vmem>>
    %dma_wait3A_83 = tpu.memref_squeeze %dma_wait3A_82 : memref<1x1x200x64xf32, #tpu.memory_space<vmem>> -> memref<1x200x64xf32, #tpu.memory_space<vmem>>
    %dma_wait3A_84 = arith.constant 0 : i32
    %dma_wait3A_85 = arith.constant 0 : i32
    %dma_wait3A_86 = arith.constant 0 : i32
    %dma_wait3A_87 = tpu.memref_slice %arg4[%dma_wait3A_84, %dma_wait3A_85, %dma_wait3A_86] : memref<4096x200x64xf32, #tpu.memory_space<hbm>> -> memref<1x200x64xf32, #tpu.memory_space<hbm>>
    %dma_wait3A_88 = arith.constant 0 : i32
    %dma_wait3A_89 = arith.constant 0 : i32
    %dma_wait3A_90 = arith.constant 0 : i32
    %dma_wait3A_91 = tpu.memref_slice %arg4[%dma_wait3A_88, %dma_wait3A_89, %dma_wait3A_90] : memref<4096x200x64xf32, #tpu.memory_space<hbm>> -> memref<1x200x64xf32, #tpu.memory_space<hbm>>
    %dma_wait3A_92 = arith.constant 0 : i32
    %dma_wait3A_93 = arith.constant 0 : i32
    %dma_wait3A_94 = arith.constant 0 : i32
    %dma_wait3A_95 = tpu.memref_slice %arg6[%dma_wait3A_78, %dma_wait3A_92, %dma_wait3A_93, %dma_wait3A_94] : memref<4x1x200x64xf32, #tpu.memory_space<vmem>> -> memref<1x1x200x64xf32, #tpu.memory_space<vmem>>
    %dma_wait3A_96 = tpu.memref_squeeze %dma_wait3A_95 : memref<1x1x200x64xf32, #tpu.memory_space<vmem>> -> memref<1x200x64xf32, #tpu.memory_space<vmem>>
    tpu.wait_dma2 semaphore(%arg12 : memref<!tpu.dma_semaphore, #tpu.memory_space<semaphore_mem>>) src(%dma_wait3A_96 : memref<1x200x64xf32, #tpu.memory_space<vmem>>) dst(%dma_wait3A_91 : memref<1x200x64xf32, #tpu.memory_space<hbm>>)
    %dma_wait3A_97 = arith.constant 2 : i32
    %dma_wait3A_98 = arith.constant 0 : i32
    %dma_wait3A_99 = arith.constant 0 : i32
    %dma_wait3A_100 = arith.constant 0 : i32
    %dma_wait3A_101 = tpu.memref_slice %arg6[%dma_wait3A_97, %dma_wait3A_98, %dma_wait3A_99, %dma_wait3A_100] : memref<4x1x200x64xf32, #tpu.memory_space<vmem>> -> memref<1x1x200x64xf32, #tpu.memory_space<vmem>>
    %dma_wait3A_102 = tpu.memref_squeeze %dma_wait3A_101 : memref<1x1x200x64xf32, #tpu.memory_space<vmem>> -> memref<1x200x64xf32, #tpu.memory_space<vmem>>
    %dma_wait3A_103 = arith.constant 0 : i32
    %dma_wait3A_104 = arith.constant 0 : i32
    %dma_wait3A_105 = arith.constant 0 : i32
    %dma_wait3A_106 = tpu.memref_slice %arg4[%dma_wait3A_103, %dma_wait3A_104, %dma_wait3A_105] : memref<4096x200x64xf32, #tpu.memory_space<hbm>> -> memref<1x200x64xf32, #tpu.memory_space<hbm>>
    %dma_wait3A_107 = arith.constant 0 : i32
    %dma_wait3A_108 = arith.constant 0 : i32
    %dma_wait3A_109 = arith.constant 0 : i32
    %dma_wait3A_110 = tpu.memref_slice %arg4[%dma_wait3A_107, %dma_wait3A_108, %dma_wait3A_109] : memref<4096x200x64xf32, #tpu.memory_space<hbm>> -> memref<1x200x64xf32, #tpu.memory_space<hbm>>
    %dma_wait3A_111 = arith.constant 0 : i32
    %dma_wait3A_112 = arith.constant 0 : i32
    %dma_wait3A_113 = arith.constant 0 : i32
    %dma_wait3A_114 = tpu.memref_slice %arg6[%dma_wait3A_97, %dma_wait3A_111, %dma_wait3A_112, %dma_wait3A_113] : memref<4x1x200x64xf32, #tpu.memory_space<vmem>> -> memref<1x1x200x64xf32, #tpu.memory_space<vmem>>
    %dma_wait3A_115 = tpu.memref_squeeze %dma_wait3A_114 : memref<1x1x200x64xf32, #tpu.memory_space<vmem>> -> memref<1x200x64xf32, #tpu.memory_space<vmem>>
    tpu.wait_dma2 semaphore(%arg13 : memref<!tpu.dma_semaphore, #tpu.memory_space<semaphore_mem>>) src(%dma_wait3A_115 : memref<1x200x64xf32, #tpu.memory_space<vmem>>) dst(%dma_wait3A_110 : memref<1x200x64xf32, #tpu.memory_space<hbm>>)
    %dma_wait3A_116 = arith.constant 3 : i32
    %dma_wait3A_117 = arith.constant 0 : i32
    %dma_wait3A_118 = arith.constant 0 : i32
    %dma_wait3A_119 = arith.constant 0 : i32
    %dma_wait3A_120 = tpu.memref_slice %arg6[%dma_wait3A_116, %dma_wait3A_117, %dma_wait3A_118, %dma_wait3A_119] : memref<4x1x200x64xf32, #tpu.memory_space<vmem>> -> memref<1x1x200x64xf32, #tpu.memory_space<vmem>>
    %dma_wait3A_121 = tpu.memref_squeeze %dma_wait3A_120 : memref<1x1x200x64xf32, #tpu.memory_space<vmem>> -> memref<1x200x64xf32, #tpu.memory_space<vmem>>
    %dma_wait3A_122 = arith.constant 0 : i32
    %dma_wait3A_123 = arith.constant 0 : i32
    %dma_wait3A_124 = arith.constant 0 : i32
    %dma_wait3A_125 = tpu.memref_slice %arg4[%dma_wait3A_122, %dma_wait3A_123, %dma_wait3A_124] : memref<4096x200x64xf32, #tpu.memory_space<hbm>> -> memref<1x200x64xf32, #tpu.memory_space<hbm>>
    %dma_wait3A_126 = arith.constant 0 : i32
    %dma_wait3A_127 = arith.constant 0 : i32
    %dma_wait3A_128 = arith.constant 0 : i32
    %dma_wait3A_129 = tpu.memref_slice %arg4[%dma_wait3A_126, %dma_wait3A_127, %dma_wait3A_128] : memref<4096x200x64xf32, #tpu.memory_space<hbm>> -> memref<1x200x64xf32, #tpu.memory_space<hbm>>
    %dma_wait3A_130 = arith.constant 0 : i32
    %dma_wait3A_131 = arith.constant 0 : i32
    %dma_wait3A_132 = arith.constant 0 : i32
    %dma_wait3A_133 = tpu.memref_slice %arg6[%dma_wait3A_116, %dma_wait3A_130, %dma_wait3A_131, %dma_wait3A_132] : memref<4x1x200x64xf32, #tpu.memory_space<vmem>> -> memref<1x1x200x64xf32, #tpu.memory_space<vmem>>
    %dma_wait3A_134 = tpu.memref_squeeze %dma_wait3A_133 : memref<1x1x200x64xf32, #tpu.memory_space<vmem>> -> memref<1x200x64xf32, #tpu.memory_space<vmem>>
    tpu.wait_dma2 semaphore(%arg14 : memref<!tpu.dma_semaphore, #tpu.memory_space<semaphore_mem>>) src(%dma_wait3A_134 : memref<1x200x64xf32, #tpu.memory_space<vmem>>) dst(%dma_wait3A_129 : memref<1x200x64xf32, #tpu.memory_space<hbm>>)
    return
  }
}

</mosaic_0001>

<sc_bundles>
// kernel: kernel.3.cloned.1.call-start
scs
__scs_entry_jumppad:
0x0: {  	(pc) =	sbr.rel $0x88, $3  }
0x1: {  	(tag) =	ssettag $0x0;
	lr =	simm.s32 $0x1  }
0x2: {  	[smem:$0x3F9F] =	sst lr;
	_ =	strace $0xD0000000  }
0x3: {  	_ = 	snop  }
0x4: {  	_ = 	snop  }
0x5: {  	_ = 	snop  }
0x6: {  	_ = 	snop  }
0x7: {  	_ = 	snop  }
__scs_overlays_trampoline_lowered:
0x8: {  	[smem:$0x3FAE] =	sst s0  }
0x9: {  	[smem:$0x3FAF] =	sst s1  }
0xa: {  	[smem:$0x3FB0] =	sst s2  }
0xb: {  	[smem:$0x3FB1] =	sst s3  }
0xc: {  	[smem:$0x3FB2] =	sst s4  }
0xd: {  	[smem:$0x3FB3] =	sst s5  }
0xe: {  	[smem:$0x3FB4] =	sst s6  }
0xf: {  	[smem:$0x3FB5] =	sst s7  }
0x10: {  	[smem:$0x3FB6] =	sst s8  }
0x11: {  	[smem:$0x3FB7] =	sst s9;
	s0 =	simm.s32 @!p0 $0x0  }
0x12: {  	s1 =	sld [smem:$0x3F9D];
	s0 =	simm.s32 @p0 $0x1  }
0x13: {  	[smem:$0x3FB8] =	sst s0;
	s0 =	simm.s32 @!p1 $0x0  }
0x14: {  	s2 =	sld [smem:$0x3F9C];
	s0 =	simm.s32 @p1 $0x1  }
0x15: {  	[smem:$0x3FB9] =	sst s0;
	s0 =	simm.s32 @!p2 $0x0  }
0x16: {  	s3 =	sld [smem:$0x3FDB];
	s0 =	simm.s32 @p2 $0x1  }
0x17: {  	s4 =	simm.s32 $0x1BF5;
	[smem:$0x3FBB] =	sst s0  }
0x18: {  	s0 =	sld [smem:$0x3F9E];
	_ =	swait.ge [sflag:s4], $0x0  }
0x19: {  	s7 =	sld [smem:$0x3F9F]  }
0x1a: {  	s8 =	sadd.s32 $0xFFFFE003, lr  }
0x1b: {  	s9 =	sadd.s32 $0xFFFFFEF7, lr;
	s5 =	simm.s32 $0xFFFFFFFF;
	p2 =	slt.u32 s8, $0xFFFFF086  }
0x1c: {  	p1 =	slt.u32 s9, $0xF7A;
	s5 =	simm.s32 @!p2 $0x0  }
0x1d: {  	s5 =	simm.s32 @p1 $0x1;
	p0 =	seq.s32 s7, s2  }
0x1e: {  	s7 =	smul.u32 @!p0 $0xF7A, s2;
	p2 =	seq.s32 @!p0 s5, $0x0  }
0x1f: {  	s9 =	smul.u32 $0xF7A, s1;
	s8 =	simm.s32 @!p0 $0x1BF5;
	p2 =	por !p2, p0  }
0x20: {  	[sflag:s8] =	ssyncset.s32 @!p0 $0xFFFFF086;
	s6 =	sadd.s32 @!p0 s3, s7;
	s7 =	simm.s32 @!p0 $0x108  }
0x21: {  	s3 =	sadd.s32 s3, s9;
	s6 =	sadd.s32 @!p0 $0x88, s6;
	s7 =	simm.s32 @p2 $0x1082  }
0x22: {  	[simem:s7], [sflag:s8] =	dma.local @!p0 [hbm:s6], $0xF7A  }
0x23: {  	s9 =	sor.u32 $0xD0000000, s2;
	s6 =	simm.s32 $0x108;
	_ =	swait.ge @!p0 [sflag:s8], $0x0  }
0x24: {  	s3 =	sadd.s32 $0x88, s3;
	s6 =	simm.s32 @!p1 $0x1082;
	[sflag:s4] =	ssyncset.s32 $0xFFFFF086  }
0x25: {  	[simem:s6], [sflag:s4] =	dma.local [hbm:s3], $0xF7A  }
0x26: {  	[smem:$0x3F9F] =	sst s1;
	(tag) =	ssettag s2;
	_ =	strace s9  }
0x27: {  	s1 =	sld [smem:$0x3FAF]  }
0x28: {  	s2 =	sld [smem:$0x3FB0]  }
0x29: {  	s4 =	sld [smem:$0x3FB2]  }
0x2a: {  	p0 =	seq.s32 s5, $0x0;
	s5 =	sld [smem:$0x3FB3]  }
0x2b: {  	s6 =	sld [smem:$0x3FB4]  }
0x2c: {  	s7 =	sld [smem:$0x3FB5]  }
0x2d: {  	s3 =	simm.s32 $0x108;
	s8 =	sld [smem:$0x3FB6]  }
0x2e: {  	s3 =	simm.s32 @!p0 $0x1082;
	s9 =	sld [smem:$0x3FB7]  }
0x2f: {  	lr =	sadd.s32 s0, s3;
	s0 =	sld [smem:$0x3FAE]  }
0x30: {  	s3 =	sld [smem:$0x3FB1]  }
0x31: {  	[smem:$0x3FBA] =	sst s10  }
0x32: {  	s10 =	sld [smem:$0x3FB8];
	_ =	sdelay $0x3  }
0x33: {  	p0 =	seq.s32 s10, $0x1;
	s10 =	sld [smem:$0x3FBA];
	_ =	sdelay $0x3  }
0x34: {  	[smem:$0x3FBA] =	sst s10  }
0x35: {  	s10 =	sld [smem:$0x3FB9];
	_ =	sdelay $0x3  }
0x36: {  	p1 =	seq.s32 s10, $0x1;
	s10 =	sld [smem:$0x3FBA];
	_ =	sdelay $0x3  }
0x37: {  	[smem:$0x3FBA] =	sst s10  }
0x38: {  	s10 =	sld [smem:$0x3FBB]  }
0x39: {  	_ = 	snop;
	(pc) =	sbr.ind lr, $3  }
0x3a: {  	_ = 	snop  }
0x3b: {  	_ = 	snop  }
0x3c: {  	p2 =	seq.s32 s10, $0x1;
	s10 =	sld [smem:$0x3FBA]  }
0x3d: {  	_ =	shalt  }
0x3e: {  	_ =	shalt  }
0x3f: {  	_ =	shalt  }
0x40: {  	_ =	shalt  }
0x41: {  	_ =	shalt  }
0x42: {  	_ =	shalt  }
0x43: {  	_ =	shalt  }
0x44: {  	_ =	shalt  }
0x45: {  	_ =	shalt  }
0x46: {  	_ =	shalt  }
0x47: {  	_ =	shalt  }
0x48: {  	_ =	shalt  }
0x49: {  	_ =	shalt  }
0x4a: {  	_ =	shalt  }
0x4b: {  	_ =	shalt  }
0x4c: {  	_ =	shalt  }
0x4d: {  	_ =	shalt  }
0x4e: {  	_ =	shalt  }
0x4f: {  	_ =	shalt  }
0x50: {  	_ =	shalt  }
0x51: {  	_ =	shalt  }
0x52: {  	_ =	shalt  }
0x53: {  	_ =	shalt  }
0x54: {  	_ =	shalt  }
0x55: {  	_ =	shalt  }
0x56: {  	_ =	shalt  }
0x57: {  	_ =	shalt  }
0x58: {  	_ =	shalt  }
0x59: {  	_ =	shalt  }
0x5a: {  	_ =	shalt  }
0x5b: {  	_ =	shalt  }
0x5c: {  	_ =	shalt  }
0x5d: {  	_ =	shalt  }
0x5e: {  	_ =	shalt  }
0x5f: {  	_ =	shalt  }
0x60: {  	_ =	shalt  }
0x61: {  	_ =	shalt  }
0x62: {  	_ =	shalt  }
0x63: {  	_ =	shalt  }
0x64: {  	_ =	shalt  }
0x65: {  	_ =	shalt  }
0x66: {  	_ =	shalt  }
0x67: {  	_ =	shalt  }
0x68: {  	_ =	shalt  }
0x69: {  	_ =	shalt  }
0x6a: {  	_ =	shalt  }
0x6b: {  	_ =	shalt  }
0x6c: {  	_ =	shalt  }
0x6d: {  	_ =	shalt  }
0x6e: {  	_ =	shalt  }
0x6f: {  	_ =	shalt  }
0x70: {  	_ =	shalt  }
0x71: {  	_ =	shalt  }
0x72: {  	_ =	shalt  }
0x73: {  	_ =	shalt  }
0x74: {  	_ =	shalt  }
0x75: {  	_ =	shalt  }
0x76: {  	_ =	shalt  }
0x77: {  	_ =	shalt  }
0x78: {  	_ =	shalt  }
0x79: {  	_ =	shalt  }
0x7a: {  	_ =	shalt  }
0x7b: {  	_ =	shalt  }
0x7c: {  	_ =	shalt  }
0x7d: {  	_ =	shalt  }
0x7e: {  	_ =	shalt  }
0x7f: {  	_ =	shalt  }
0x80: {  	_ =	shalt  }
0x81: {  	_ =	shalt  }
0x82: {  	_ =	shalt  }
0x83: {  	_ =	shalt  }
0x84: {  	_ =	shalt  }
0x85: {  	_ =	shalt  }
0x86: {  	_ =	shalt  }
0x87: {  	_ =	shalt  }
.Lfunc_end0:
.L_simem_size_0:
called_computation.1_lowered:
.L_overlay_start_0:
0x88: {  	s2 =	sld [smem:$0x3FD9]  }
0x89: {  	s3 =	sld [smem:$0x3FFE];
	_ =	sdelay $0x1  }
0x8a: {  	s1 =	srdreg.scid  }
0x8b: {  	s0 =	sand.u32 $0x1, s1  }
0x8c: {  	s17 =	sshll.u32 s0, $0xA;
	s2 =	sadd.s32 s3, s2  }
0x8d: {  	s2 =	sadd.s32 s2, s17  }
0x8e: {  	[smem:$0x3FC6] =	sst s2  }
0x8f: {  	_ = 	snop  }
0x90: {  	s2 =	sld [smem:$0x3FD0];
	(tm) =	ssettm $0x1  }
0x91: {  	s18 =	sld [smem:$0x3FFB];
	_ =	sdelay $0x3  }
0x92: {  	_ =	strace s18  }
0x93: {  	s3 =	sld [smem:$0x3FFC];
	_ =	sdelay $0x3  }
0x94: {  	_ =	strace s3  }
0x95: {  	s3 =	sld [smem:$0x3FFD];
	_ =	sdelay $0x3  }
0x96: {  	_ =	strace s3  }
0x97: {  	_ =	strace $0x8FFFFFFF  }
0x98: {  	s19 =	sld [smem:$0x3FDB];
	_ =	sdelay $0x1  }
0x99: {  	s4 =	simm.s32 $_scs_section_size  }
0x9a: {  	s5 =	simm.s32 $_size__tile_overlayer_lowered;
	s6 =	simm.s32 $_tile_overlayer_lowered  }
0x9b: {  	s22 =	simm.s32 $0x1BFF;
	s21 =	sshll.u32 s6, $0x1;
	s3 =	sadd.s32 s4, s19  }
0x9c: {  	s7 =	simm.s32 $0x0;
	s20 =	sshll.u32 s5, $0x1;
	s5 =	sadd.s32 s21, s3  }
0x9d: {  	[timem:s7], [sflag:s22] =	dma.local [hbm:s5], s20  }
0x9e: {  	_ =	swait.ge [sflag:s22], s20  }
0x9f: {  	s4 =	ssub.s32 $0x0, s20;
	[sflag:s22] =	ssyncset.done $0x0  }
0xa0: {  	[sflag:s22] =	ssyncadd.s32 s4;
	_ =	sdelay $0x1  }
0xa1: {  	s23 =	simm.s32 $0x1B8B  }
0xa2: {  	_ =	swait.ge [sflag:s23], $0x1  }
0xa3: {  	[sflag:s23] =	ssyncset.done $0x0  }
0xa4: {  	s25 =	simm.s32 $0x1B8E;
	s24 =	sld [smem:$0x3FFE];
	[sflag:s23] =	ssyncadd.s32 $0xFFFFFFFF  }
0xa5: {  	s26 =	simm.s32 $execute0_lowered;
	[smem:$0x3FD2] =	sst s25  }
0xa6: {  	s5 =	sshll.u32 s26, $0x1;
	_ =	strace $0x80000046;
	[dreg:$0x1] =	wrdreg $0xFFFFFFFF  }
0xa7: {  	s28 =	simm.s32 $_size_execute0_lowered;
	s3 =	sadd.s32 s3, s5;
	[dreg:$0x0] =	wrdreg $0x0  }
0xa8: {  	s5 =	sshll.u32 s28, $0x1;
	[dreg:$0x2] =	wrdreg s3  }
0xa9: {  	[dreg:$0x3] =	wrdreg s5  }
0xaa: {  	[dreg:$0x4] =	wrdreg $0xC0  }
0xab: {  	_ =	task [dreg:s7], $0x5FFFF  }
0xac: {  	[dreg:$0x1] =	wrdreg $0xFFFFFFFF  }
0xad: {  	[dreg:$0x0] =	wrdreg $0x60  }
0xae: {  	[dreg:$0x2] =	wrdreg s24  }
0xaf: {  	[dreg:$0x3] =	wrdreg s2  }
0xb0: {  	[dreg:$0x4] =	wrdreg $0x9  }
0xb1: {  	_ =	task.clear_ibuf [dreg:s7], $0x5FFFF;
	_ =	strace $0x90000046  }
0xb2: {  	s29 =	simm.s32 $0x9;
	_ =	strace $0x80000048  }
0xb3: {  	_ =	swait.ge [sflag:s29], $0x1  }
0xb4: {  	[sflag:s29] =	ssyncadd.s32 $0xFFFFFFFF  }
0xb5: {  	_ =	strace $0x90000048  }
0xb6: {  	_ =	sfence  }
0xb7: {  	s30 =	sld [smem:$0x0];
	_ =	sdelay $0x2  }
0xb8: {  	s31 =	sshll.u32 s1, $0xD;
	s1 =	sshrl.u32 s1, $0x2  }
0xb9: {  	s3 =	sand.u32 $0x4000, s31;
	s1 =	sadd.s32 s1, s30  }
0xba: {  	s0 =	sor.u32 s3, s0;
	s1 =	sshll.u32 s1, $0x11  }
0xbb: {  	s0 =	sor.u32 s1, s0  }
0xbc: {  	s0 =	sadd.s32 $0x8F2B, s0  }
0xbd: {  	[sflag:s0] =	ssyncadd.remote.s32 $0x1  }
0xbe: {  	_ =	sfence.sel $0xFFFF  }
0xbf: {  	[dreg:$0x0] =	wrdreg $0xFFFFFFFF;
	(pc) =	sbr.abs _section_cstart, $3  }
0xc0: {  	[dreg:$0x1] =	wrdreg $0xFFFFFFFF  }
0xc1: {  	_ =	task.clear_ibuf [dreg:s7], $0x2FFFF;
	_ =	strace $0x9FFFFFFF  }
0xc2: {  	(tm) =	ssettm $0x7FFFFFFF  }
0xc3: {  	_ =	shalt  }
tec
execute0_lowered:
.L_overlay_start_1:
0x0: {  	(tag) =	ssettag $0x1  }
0x1: {  	s0 =	srdreg.scid  }
0x2: {  	s2 =	stileid.u32;
	s1 =	rddreg [dreg:$0x0];
	s8 =	simm.s32 $0x9  }
0x3: {  	s9 =	simm.s32 $0x64;
	s10 =	simm.s32 $0x6800;
	s14 =	simm.s32 $0x9A00  }
0x4: {  	s16 =	simm.s32 $0xB300;
	s17 =	simm.s32 $0xCC00;
	s18 =	simm.s32 $0xE500  }
0x5: {  	s19 =	simm.s32 $0x1;
	s20 =	simm.s32 $0xFE00;
	s21 =	simm.s32 $0x11700  }
0x6: {  	s22 =	simm.s32 $0x2;
	s23 =	simm.s32 $0x3;
	s24 =	simm.s32 $0x4  }
0x7: {  	s25 =	simm.s32 $0x5;
	s26 =	simm.s32 $0x6;
	s28 =	simm.s32 $0x7  }
0x8: {  	s29 =	simm.s32 $0x8;
	s0 =	sand.u32 $0x1, s0;
	s3 =	sshll.u32 s2, $0x1  }
0x9: {  	s30 =	simm.s32 $0x0;
	s2 =	rddreg [dreg:$0x1];
	s5 =	sor.u32 s0, s3  }
0xa: {  	s3 =	simm.s32 $0x0;
	s0 =	ssub.s32 $0x2, s0;
	s4 =	smul.u32 $0xD00, s5  }
0xb: {  	[smem:$0x7FF] =	sst s3;
	s7 =	sshrl.u32 s0, $0x1;
	s5 =	sshll.u32 s5, $0x7  }
0xc: {  	_ =	strace $0x80000047;
	s0 =	ssub.s32 s0, s7;
	s6 =	sadd.s32 s4, s1  }
0xd: {  	s4 =	sadd.s32 $0xF42E00, s1;
	s7 =	smax.u32 s0, $0x1;
	s6 =	sadd.s32 $0xA00, s6  }
.LBB2_1:
0xe: {  	[tilespmem:s3], [sflag:$0x9] =	stream.linear.gather [hbm4b:s6+s3], $0x6800, $0x38;
	[tilespmem:$0x13000] =	vst v63  }
0xf: {  	_ =	swait.ge [sflag:s8], $0x6800  }
0x10: {  	[sflag:s8] =	ssyncset.done $0x0  }
0x11: {  	[sflag:s8] =	ssyncadd.s32 $0xFFFF9800  }
0x12: {  	[tilespmem:s10], [sflag:$0x1] =	stream.indirect.gather [hbm4b:s4+s9], $0x40, s3, s9, $0xb8;
	[tilespmem:$0x13000] =	vst v63  }
0x13: {  	s0 =	simm.s32 $0x68;
	s1 =	simm.s32 $0x8100  }
0x14: {  	[tilespmem:s1], [sflag:$0x1] =	stream.indirect.gather [hbm4b:s4+s9], $0x40, s0, s9, $0xb8;
	[tilespmem:$0x13000] =	vst v63  }
0x15: {  	s13 =	simm.s32 $0xD0  }
0x16: {  	[tilespmem:s14], [sflag:$0x2] =	stream.indirect.gather [hbm4b:s4+s9], $0x40, s13, s9, $0xb8;
	[tilespmem:$0x13000] =	vst v63  }
0x17: {  	s15 =	simm.s32 $0x138;
	s31 =	simm.s32 $0x0  }
0x18: {  	[tilespmem:s16], [sflag:$0x2] =	stream.indirect.gather [hbm4b:s4+s9], $0x40, s15, s9, $0xb8;
	[tilespmem:$0x13000] =	vst v63  }
.LBB2_2:
0x19: {  	s11 =	sshll.u32 s31, $0x2;
	p0 =	seq.s32 s31, $0x0  }
0x1a: {  	s0 =	sor.u32 $0x2, s11;
	s1 =	simm.s32 @!p0 $0x7  }
0x1b: {  	_ =	swait.ge @!p0 [sflag:s1], $0x3200;
	s12 =	smul.u32 $0x340, s0  }
0x1c: {  	[sflag:s1] =	ssyncset.done @!p0 $0x0  }
0x1d: {  	[sflag:s1] =	ssyncadd.s32 @!p0 $0xFFFFCE00;
	s15 =	sshra.s32 s12, $0x2  }
0x1e: {  	[tilespmem:s17], [sflag:$0x3] =	stream.indirect.gather [hbm4b:s4+s9], $0x40, s15, s9, $0xb8;
	[tilespmem:$0x13000] =	vst v63  }
0x1f: {  	s1 =	sadd.s32 $0x68, s15  }
0x20: {  	[tilespmem:s18], [sflag:$0x3] =	stream.indirect.gather [hbm4b:s4+s9], $0x40, s1, s9, $0xb8;
	[tilespmem:$0x13000] =	vst v63  }
0x21: {  	_ =	swait.ge [sflag:s19], $0x3200  }
0x22: {  	[sflag:s19] =	ssyncset.done $0x0  }
0x23: {  	s1 =	simm.s32 $0x6880;
	[sflag:s19] =	ssyncadd.s32 $0xFFFFCE00  }
0x24: {  	v0 =	vld [tilespmem:s1+$0x70]  }
0x25: {  	v1 =	vld [tilespmem:s1+$0xFFFFFF90]  }
0x26: {  	v2 =	vld [tilespmem:s1+$0xFFFFFFA0]  }
0x27: {  	v3 =	vld [tilespmem:s1+$0xFFFFFFB0]  }
0x28: {  	v4 =	vld [tilespmem:s1+$0xFFFFFFC0]  }
0x29: {  	v5 =	vld [tilespmem:s1+$0xFFFFFFD0];
	v0 =	vmul.f32 $8.000000000e+00, v0  }
0x2a: {  	v6 =	vld [tilespmem:s1+$0xFFFFFFE0];
	v1 =	vmul.f32 $8.000000000e+00, v1  }
0x2b: {  	v7 =	vld [tilespmem:s1+$0xFFFFFFF0];
	v2 =	vmul.f32 $8.000000000e+00, v2;
	[tilespmem:s1+$0x70] =	vst v0  }
0x2c: {  	[tilespmem:s1+$0xFFFFFF90] =	vst v1;
	v0 =	vmul.f32 $8.000000000e+00, v3;
	v3 =	vld [tilespmem:s1+$0x0]  }
0x2d: {  	[tilespmem:s1+$0xFFFFFFA0] =	vst v2;
	v1 =	vmul.f32 $8.000000000e+00, v4;
	v4 =	vld [tilespmem:s1+$0x10]  }
0x2e: {  	v8 =	vld [tilespmem:s1+$0x20];
	v2 =	vmul.f32 $8.000000000e+00, v5;
	[tilespmem:s1+$0xFFFFFFB0] =	vst v0  }
0x2f: {  	v5 =	vmul.f32 $8.000000000e+00, v6;
	[tilespmem:s1+$0xFFFFFFC0] =	vst v1;
	v0 =	vld [tilespmem:s1+$0x30]  }
0x30: {  	v6 =	vmul.f32 $8.000000000e+00, v7;
	[tilespmem:s1+$0xFFFFFFD0] =	vst v2;
	v1 =	vld [tilespmem:s1+$0x40]  }
0x31: {  	[tilespmem:s1+$0xFFFFFFE0] =	vst v5;
	v2 =	vld [tilespmem:s1+$0x50];
	v7 =	vmul.f32 $8.000000000e+00, v3  }
0x32: {  	[tilespmem:s1+$0xFFFFFFF0] =	vst v6;
	v3 =	vld [tilespmem:s1+$0x60];
	v5 =	vmul.f32 $8.000000000e+00, v4  }
0x33: {  	s13 =	simm.s32 $0x6980;
	s12 =	simm.s32 $0x0;
	v6 =	vmul.f32 $8.000000000e+00, v8;
	v4 =	vld [tilespmem:s1+$0xFFFFFF80];
	[tilespmem:s1+$0x0] =	vst v7  }
.LBB2_3:
0x34: {  	v7 =	vld [tilespmem:s13+$0x70];
	s12 =	sadd.s32 $0x4, s12;
	[tilespmem:s1+$0x10] =	vst v5;
	v0 =	vmul.f32 $8.000000000e+00, v0  }
0x35: {  	v5 =	vld [tilespmem:s13+$0xFFFFFF90];
	p1 =	slt.u32 s12, $0xC4;
	[tilespmem:s1+$0x20] =	vst v6;
	v1 =	vmul.f32 $8.000000000e+00, v1  }
0x36: {  	v6 =	vld [tilespmem:s13+$0xFFFFFFA0];
	[tilespmem:s1+$0x30] =	vst v0;
	v0 =	vmul.f32 $8.000000000e+00, v2  }
0x37: {  	v2 =	vld [tilespmem:s13+$0xFFFFFFB0];
	[tilespmem:s1+$0x40] =	vst v1;
	v1 =	vmul.f32 $8.000000000e+00, v3  }
0x38: {  	v3 =	vld [tilespmem:s13+$0xFFFFFFC0];
	v4 =	vmul.f32 $8.000000000e+00, v4;
	[tilespmem:s1+$0x50] =	vst v0  }
0x39: {  	v0 =	vld [tilespmem:s13+$0xFFFFFFD0];
	v7 =	vmul.f32 $8.000000000e+00, v7;
	[tilespmem:s1+$0x60] =	vst v1  }
0x3a: {  	v1 =	vmul.f32 $8.000000000e+00, v5;
	v5 =	vld [tilespmem:s13+$0xFFFFFFE0];
	[tilespmem:s1+$0xFFFFFF80] =	vst v4;
	s1 =	smov.u32 s13  }
0x3b: {  	v4 =	vmul.f32 $8.000000000e+00, v6;
	v6 =	vld [tilespmem:s13+$0xFFFFFFF0];
	[tilespmem:s13+$0x70] =	vst v7  }
0x3c: {  	[tilespmem:s13+$0xFFFFFF90] =	vst v1;
	v1 =	vmul.f32 $8.000000000e+00, v2;
	v2 =	vld [tilespmem:s13+$0x0]  }
0x3d: {  	[tilespmem:s13+$0xFFFFFFA0] =	vst v4;
	v3 =	vmul.f32 $8.000000000e+00, v3;
	v4 =	vld [tilespmem:s13+$0x10]  }
0x3e: {  	[tilespmem:s13+$0xFFFFFFB0] =	vst v1;
	v1 =	vmul.f32 $8.000000000e+00, v0;
	v7 =	vld [tilespmem:s13+$0x20]  }
.Ltmp0:
0x3f: {  	[tilespmem:s13+$0xFFFFFFC0] =	vst v3;
	v3 =	vmul.f32 $8.000000000e+00, v5;
	v0 =	vld [tilespmem:s13+$0x30];
	(pc) =	sbr.rel @p1 .LBB2_3-.Ltmp0, $4  }
0x40: {  	[tilespmem:s13+$0xFFFFFFD0] =	vst v1;
	v5 =	vmul.f32 $8.000000000e+00, v6;
	v1 =	vld [tilespmem:s13+$0x40]  }
0x41: {  	[tilespmem:s13+$0xFFFFFFE0] =	vst v3;
	v6 =	vmul.f32 $8.000000000e+00, v2;
	v2 =	vld [tilespmem:s13+$0x50]  }
0x42: {  	[tilespmem:s13+$0xFFFFFFF0] =	vst v5;
	v5 =	vmul.f32 $8.000000000e+00, v4;
	v3 =	vld [tilespmem:s13+$0x60]  }
0x43: {  	s13 =	sadd.s32 $0x100, s13;
	v4 =	vld [tilespmem:s1+$0xFFFFFF80];
	[tilespmem:s1+$0x0] =	vst v6;
	v6 =	vmul.f32 $8.000000000e+00, v7  }
0x44: {  	[tilespmem:s1+$0x10] =	vst v5;
	v0 =	vmul.f32 $8.000000000e+00, v0  }
0x45: {  	[tilespmem:s1+$0x20] =	vst v6;
	v1 =	vmul.f32 $8.000000000e+00, v1  }
0x46: {  	[tilespmem:s1+$0x30] =	vst v0;
	v0 =	vmul.f32 $8.000000000e+00, v2  }
0x47: {  	s12 =	sadd.s32 s5, s11;
	[tilespmem:s1+$0x40] =	vst v1;
	v1 =	vmul.f32 $8.000000000e+00, v3  }
0x48: {  	s12 =	smul.u32 $0x640, s12;
	v2 =	vmul.f32 $8.000000000e+00, v4;
	[tilespmem:s1+$0x50] =	vst v0  }
0x49: {  	[tilespmem:s1+$0x60] =	vst v1  }
0x4a: {  	s13 =	sadd.s32 s2, s12;
	s12 =	simm.s32 @!p0 $0x8;
	[tilespmem:s1+$0xFFFFFF80] =	vst v2;
	s1 =	sor.u32 $0x3, s11  }
0x4b: {  	[hbm4b:s13+s3] =	stream.linear.scatter [tilespmem:s10], [sflag:$0x5], $0x3200, $0x38;
	[tilespmem:$0x13000] =	vst v63  }
0x4c: {  	s13 =	smul.u32 $0x340, s1;
	_ =	swait.ge @!p0 [sflag:s12], $0x3200  }
0x4d: {  	[sflag:s12] =	ssyncset.done @!p0 $0x0  }
0x4e: {  	s15 =	sshra.s32 s13, $0x2;
	[sflag:s12] =	ssyncadd.s32 @!p0 $0xFFFFCE00  }
0x4f: {  	[tilespmem:s20], [sflag:$0x4] =	stream.indirect.gather [hbm4b:s4+s9], $0x40, s15, s9, $0xb8;
	[tilespmem:$0x13000] =	vst v63  }
0x50: {  	s12 =	sadd.s32 $0x68, s15  }
0x51: {  	[tilespmem:s21], [sflag:$0x4] =	stream.indirect.gather [hbm4b:s4+s9], $0x40, s12, s9, $0xb8;
	[tilespmem:$0x13000] =	vst v63  }
0x52: {  	_ =	swait.ge [sflag:s22], $0x3200  }
0x53: {  	[sflag:s22] =	ssyncset.done $0x0  }
0x54: {  	s12 =	simm.s32 $0x9AF0;
	[sflag:s22] =	ssyncadd.s32 $0xFFFFCE00  }
0x55: {  	v0 =	vld [tilespmem:s12+$0x0]  }
0x56: {  	v1 =	vld [tilespmem:s12+$0xFFFFFF20]  }
0x57: {  	v2 =	vld [tilespmem:s12+$0xFFFFFF30]  }
0x58: {  	v3 =	vld [tilespmem:s12+$0xFFFFFF40]  }
0x59: {  	v4 =	vld [tilespmem:s12+$0xFFFFFF50]  }
0x5a: {  	v5 =	vld [tilespmem:s12+$0xFFFFFF60];
	v0 =	vmul.f32 $8.000000000e+00, v0  }
0x5b: {  	v6 =	vld [tilespmem:s12+$0xFFFFFF70];
	v1 =	vmul.f32 $8.000000000e+00, v1  }
0x5c: {  	v7 =	vld [tilespmem:s12+$0xFFFFFF80];
	v2 =	vmul.f32 $8.000000000e+00, v2;
	[tilespmem:s12+$0x0] =	vst v0  }
0x5d: {  	[tilespmem:s12+$0xFFFFFF20] =	vst v1;
	v0 =	vmul.f32 $8.000000000e+00, v3;
	v3 =	vld [tilespmem:s12+$0xFFFFFF90]  }
0x5e: {  	[tilespmem:s12+$0xFFFFFF30] =	vst v2;
	v1 =	vmul.f32 $8.000000000e+00, v4;
	v4 =	vld [tilespmem:s12+$0xFFFFFFA0]  }
0x5f: {  	v8 =	vld [tilespmem:s12+$0xFFFFFFB0];
	v2 =	vmul.f32 $8.000000000e+00, v5;
	[tilespmem:s12+$0xFFFFFF40] =	vst v0  }
0x60: {  	v5 =	vmul.f32 $8.000000000e+00, v6;
	[tilespmem:s12+$0xFFFFFF50] =	vst v1;
	v0 =	vld [tilespmem:s12+$0xFFFFFFC0]  }
0x61: {  	v6 =	vmul.f32 $8.000000000e+00, v7;
	[tilespmem:s12+$0xFFFFFF60] =	vst v2;
	v1 =	vld [tilespmem:s12+$0xFFFFFFD0]  }
0x62: {  	[tilespmem:s12+$0xFFFFFF70] =	vst v5;
	v2 =	vld [tilespmem:s12+$0xFFFFFFE0];
	v7 =	vmul.f32 $8.000000000e+00, v3  }
0x63: {  	[tilespmem:s12+$0xFFFFFF80] =	vst v6;
	v3 =	vld [tilespmem:s12+$0xFFFFFFF0];
	v5 =	vmul.f32 $8.000000000e+00, v4  }
0x64: {  	s11 =	sor.u32 $0x1, s11;
	s13 =	simm.s32 $0x0;
	s15 =	simm.s32 $0x9BF0;
	v6 =	vmul.f32 $8.000000000e+00, v8;
	v4 =	vld [tilespmem:s12+$0xFFFFFF10];
	[tilespmem:s12+$0xFFFFFF90] =	vst v7  }
.LBB2_5:
0x65: {  	v7 =	vld [tilespmem:s15+$0x0];
	s13 =	sadd.s32 $0x4, s13;
	[tilespmem:s12+$0xFFFFFFA0] =	vst v5;
	v0 =	vmul.f32 $8.000000000e+00, v0  }
0x66: {  	v5 =	vld [tilespmem:s15+$0xFFFFFF20];
	p0 =	slt.u32 s13, $0xC4;
	[tilespmem:s12+$0xFFFFFFB0] =	vst v6;
	v1 =	vmul.f32 $8.000000000e+00, v1  }
0x67: {  	v6 =	vld [tilespmem:s15+$0xFFFFFF30];
	[tilespmem:s12+$0xFFFFFFC0] =	vst v0;
	v0 =	vmul.f32 $8.000000000e+00, v2  }
0x68: {  	v2 =	vld [tilespmem:s15+$0xFFFFFF40];
	[tilespmem:s12+$0xFFFFFFD0] =	vst v1;
	v1 =	vmul.f32 $8.000000000e+00, v3  }
0x69: {  	v3 =	vld [tilespmem:s15+$0xFFFFFF50];
	v4 =	vmul.f32 $8.000000000e+00, v4;
	[tilespmem:s12+$0xFFFFFFE0] =	vst v0  }
0x6a: {  	v0 =	vld [tilespmem:s15+$0xFFFFFF60];
	v7 =	vmul.f32 $8.000000000e+00, v7;
	[tilespmem:s12+$0xFFFFFFF0] =	vst v1  }
0x6b: {  	v1 =	vmul.f32 $8.000000000e+00, v5;
	v5 =	vld [tilespmem:s15+$0xFFFFFF70];
	[tilespmem:s12+$0xFFFFFF10] =	vst v4;
	s12 =	smov.u32 s15  }
0x6c: {  	v4 =	vmul.f32 $8.000000000e+00, v6;
	v6 =	vld [tilespmem:s15+$0xFFFFFF80];
	[tilespmem:s15+$0x0] =	vst v7  }
0x6d: {  	[tilespmem:s15+$0xFFFFFF20] =	vst v1;
	v1 =	vmul.f32 $8.000000000e+00, v2;
	v2 =	vld [tilespmem:s15+$0xFFFFFF90]  }
0x6e: {  	[tilespmem:s15+$0xFFFFFF30] =	vst v4;
	v3 =	vmul.f32 $8.000000000e+00, v3;
	v4 =	vld [tilespmem:s15+$0xFFFFFFA0]  }
0x6f: {  	[tilespmem:s15+$0xFFFFFF40] =	vst v1;
	v1 =	vmul.f32 $8.000000000e+00, v0;
	v7 =	vld [tilespmem:s15+$0xFFFFFFB0]  }
.Ltmp1:
0x70: {  	[tilespmem:s15+$0xFFFFFF50] =	vst v3;
	v3 =	vmul.f32 $8.000000000e+00, v5;
	v0 =	vld [tilespmem:s15+$0xFFFFFFC0];
	(pc) =	sbr.rel @p0 .LBB2_5-.Ltmp1, $4  }
0x71: {  	[tilespmem:s15+$0xFFFFFF60] =	vst v1;
	v5 =	vmul.f32 $8.000000000e+00, v6;
	v1 =	vld [tilespmem:s15+$0xFFFFFFD0]  }
0x72: {  	[tilespmem:s15+$0xFFFFFF70] =	vst v3;
	v6 =	vmul.f32 $8.000000000e+00, v2;
	v2 =	vld [tilespmem:s15+$0xFFFFFFE0]  }
0x73: {  	[tilespmem:s15+$0xFFFFFF80] =	vst v5;
	v5 =	vmul.f32 $8.000000000e+00, v4;
	v3 =	vld [tilespmem:s15+$0xFFFFFFF0]  }
0x74: {  	s15 =	sadd.s32 $0x100, s15;
	v4 =	vld [tilespmem:s12+$0xFFFFFF10];
	[tilespmem:s12+$0xFFFFFF90] =	vst v6;
	v6 =	vmul.f32 $8.000000000e+00, v7  }
0x75: {  	[tilespmem:s12+$0xFFFFFFA0] =	vst v5;
	v0 =	vmul.f32 $8.000000000e+00, v0  }
0x76: {  	[tilespmem:s12+$0xFFFFFFB0] =	vst v6;
	v1 =	vmul.f32 $8.000000000e+00, v1  }
0x77: {  	[tilespmem:s12+$0xFFFFFFC0] =	vst v0;
	v0 =	vmul.f32 $8.000000000e+00, v2  }
0x78: {  	s11 =	sadd.s32 s5, s11;
	[tilespmem:s12+$0xFFFFFFD0] =	vst v1;
	v1 =	vmul.f32 $8.000000000e+00, v3  }
0x79: {  	s11 =	smul.u32 $0x640, s11;
	v2 =	vmul.f32 $8.000000000e+00, v4;
	[tilespmem:s12+$0xFFFFFFE0] =	vst v0  }
0x7a: {  	[tilespmem:s12+$0xFFFFFFF0] =	vst v1  }
0x7b: {  	p0 =	seq.s32 s31, $0x1F;
	s11 =	sadd.s32 s2, s11;
	[tilespmem:s12+$0xFFFFFF10] =	vst v2  }
0x7c: {  	[hbm4b:s11+s3] =	stream.linear.scatter [tilespmem:s14], [sflag:$0x6], $0x3200, $0x38;
	[tilespmem:$0x13000] =	vst v63  }
0x7d: {  	s11 =	simm.s32 @!p0 $0x5  }
0x7e: {  	s12 =	smul.u32 @!p0 $0xD00, s31;
	_ =	swait.ge @!p0 [sflag:s11], $0x3200  }
0x7f: {  	[sflag:s11] =	ssyncset.done @!p0 $0x0  }
0x80: {  	[sflag:s11] =	ssyncadd.s32 @!p0 $0xFFFFCE00;
	s11 =	sshra.s32 @!p0 s12, $0x2  }
0x81: {  	s13 =	simm.s32 @!p0 $0x64;
	s15 =	simm.s32 @!p0 $0x6800;
	s12 =	sadd.s32 @!p0 $0x340, s11  }
0x82: {  	[tilespmem:s15], [sflag:$0x1] =	stream.indirect.gather @!p0 [hbm4b:s4+s13], $0x40, s12, s13, $0xb8;
	[tilespmem:$0x13000] =	vst v63  }
0x83: {  	s12 =	sadd.s32 @!p0 $0x3A8, s11;
	s15 =	simm.s32 @!p0 $0x8100  }
0x84: {  	[tilespmem:s15], [sflag:$0x1] =	stream.indirect.gather @!p0 [hbm4b:s4+s13], $0x40, s12, s13, $0xb8;
	[tilespmem:$0x13000] =	vst v63  }
0x85: {  	_ =	swait.ge [sflag:s23], $0x3200  }
0x86: {  	[sflag:s23] =	ssyncset.done $0x0  }
0x87: {  	s12 =	simm.s32 $0xCC00;
	[sflag:s23] =	ssyncadd.s32 $0xFFFFCE00  }
0x88: {  	v0 =	vld [tilespmem:s12+$0xF0]  }
0x89: {  	v1 =	vld [tilespmem:s12+$0x10]  }
0x8a: {  	v2 =	vld [tilespmem:s12+$0x20]  }
0x8b: {  	v3 =	vld [tilespmem:s12+$0x30]  }
0x8c: {  	v4 =	vld [tilespmem:s12+$0x40]  }
0x8d: {  	v5 =	vld [tilespmem:s12+$0x50];
	v0 =	vmul.f32 $8.000000000e+00, v0  }
0x8e: {  	v6 =	vld [tilespmem:s12+$0x60];
	v1 =	vmul.f32 $8.000000000e+00, v1  }
0x8f: {  	v7 =	vld [tilespmem:s12+$0x70];
	v2 =	vmul.f32 $8.000000000e+00, v2;
	[tilespmem:s12+$0xF0] =	vst v0  }
0x90: {  	[tilespmem:s12+$0x10] =	vst v1;
	v0 =	vmul.f32 $8.000000000e+00, v3;
	v3 =	vld [tilespmem:s12+$0x80]  }
0x91: {  	[tilespmem:s12+$0x20] =	vst v2;
	v1 =	vmul.f32 $8.000000000e+00, v4;
	v4 =	vld [tilespmem:s12+$0x90]  }
0x92: {  	v8 =	vld [tilespmem:s12+$0xA0];
	v2 =	vmul.f32 $8.000000000e+00, v5;
	[tilespmem:s12+$0x30] =	vst v0  }
0x93: {  	v5 =	vmul.f32 $8.000000000e+00, v6;
	[tilespmem:s12+$0x40] =	vst v1;
	v0 =	vld [tilespmem:s12+$0xB0]  }
0x94: {  	v6 =	vmul.f32 $8.000000000e+00, v7;
	[tilespmem:s12+$0x50] =	vst v2;
	v1 =	vld [tilespmem:s12+$0xC0]  }
0x95: {  	[tilespmem:s12+$0x60] =	vst v5;
	v2 =	vld [tilespmem:s12+$0xD0];
	v7 =	vmul.f32 $8.000000000e+00, v3  }
0x96: {  	[tilespmem:s12+$0x70] =	vst v6;
	v3 =	vld [tilespmem:s12+$0xE0];
	v5 =	vmul.f32 $8.000000000e+00, v4  }
0x97: {  	s13 =	simm.s32 $0x0;
	s15 =	simm.s32 $0xCD00;
	v6 =	vmul.f32 $8.000000000e+00, v8;
	v4 =	vld [tilespmem:s12+$0x0];
	[tilespmem:s12+$0x80] =	vst v7  }
.LBB2_7:
0x98: {  	v7 =	vld [tilespmem:s15+$0xF0];
	s13 =	sadd.s32 $0x4, s13;
	[tilespmem:s12+$0x90] =	vst v5;
	v0 =	vmul.f32 $8.000000000e+00, v0  }
0x99: {  	v5 =	vld [tilespmem:s15+$0x10];
	p1 =	slt.u32 s13, $0xC4;
	[tilespmem:s12+$0xA0] =	vst v6;
	v1 =	vmul.f32 $8.000000000e+00, v1  }
0x9a: {  	v6 =	vld [tilespmem:s15+$0x20];
	[tilespmem:s12+$0xB0] =	vst v0;
	v0 =	vmul.f32 $8.000000000e+00, v2  }
0x9b: {  	v2 =	vld [tilespmem:s15+$0x30];
	[tilespmem:s12+$0xC0] =	vst v1;
	v1 =	vmul.f32 $8.000000000e+00, v3  }
0x9c: {  	v3 =	vld [tilespmem:s15+$0x40];
	v4 =	vmul.f32 $8.000000000e+00, v4;
	[tilespmem:s12+$0xD0] =	vst v0  }
0x9d: {  	v0 =	vld [tilespmem:s15+$0x50];
	v7 =	vmul.f32 $8.000000000e+00, v7;
	[tilespmem:s12+$0xE0] =	vst v1  }
0x9e: {  	v1 =	vmul.f32 $8.000000000e+00, v5;
	v5 =	vld [tilespmem:s15+$0x60];
	[tilespmem:s12+$0x0] =	vst v4;
	s12 =	smov.u32 s15  }
0x9f: {  	v4 =	vmul.f32 $8.000000000e+00, v6;
	v6 =	vld [tilespmem:s15+$0x70];
	[tilespmem:s15+$0xF0] =	vst v7  }
0xa0: {  	[tilespmem:s15+$0x10] =	vst v1;
	v1 =	vmul.f32 $8.000000000e+00, v2;
	v2 =	vld [tilespmem:s15+$0x80]  }
0xa1: {  	[tilespmem:s15+$0x20] =	vst v4;
	v3 =	vmul.f32 $8.000000000e+00, v3;
	v4 =	vld [tilespmem:s15+$0x90]  }
0xa2: {  	[tilespmem:s15+$0x30] =	vst v1;
	v1 =	vmul.f32 $8.000000000e+00, v0;
	v7 =	vld [tilespmem:s15+$0xA0]  }
.Ltmp2:
0xa3: {  	[tilespmem:s15+$0x40] =	vst v3;
	v3 =	vmul.f32 $8.000000000e+00, v5;
	v0 =	vld [tilespmem:s15+$0xB0];
	(pc) =	sbr.rel @p1 .LBB2_7-.Ltmp2, $4  }
0xa4: {  	[tilespmem:s15+$0x50] =	vst v1;
	v5 =	vmul.f32 $8.000000000e+00, v6;
	v1 =	vld [tilespmem:s15+$0xC0]  }
0xa5: {  	[tilespmem:s15+$0x60] =	vst v3;
	v6 =	vmul.f32 $8.000000000e+00, v2;
	v2 =	vld [tilespmem:s15+$0xD0]  }
0xa6: {  	[tilespmem:s15+$0x70] =	vst v5;
	v5 =	vmul.f32 $8.000000000e+00, v4;
	v3 =	vld [tilespmem:s15+$0xE0]  }
0xa7: {  	s15 =	sadd.s32 $0x100, s15;
	v4 =	vld [tilespmem:s12+$0x0];
	[tilespmem:s12+$0x80] =	vst v6;
	v6 =	vmul.f32 $8.000000000e+00, v7  }
0xa8: {  	[tilespmem:s12+$0x90] =	vst v5;
	v0 =	vmul.f32 $8.000000000e+00, v0  }
0xa9: {  	[tilespmem:s12+$0xA0] =	vst v6;
	v1 =	vmul.f32 $8.000000000e+00, v1  }
0xaa: {  	[tilespmem:s12+$0xB0] =	vst v0;
	v0 =	vmul.f32 $8.000000000e+00, v2  }
0xab: {  	s0 =	sadd.s32 s5, s0;
	[tilespmem:s12+$0xC0] =	vst v1;
	v1 =	vmul.f32 $8.000000000e+00, v3  }
0xac: {  	s0 =	smul.u32 $0x640, s0;
	v2 =	vmul.f32 $8.000000000e+00, v4;
	[tilespmem:s12+$0xD0] =	vst v0  }
0xad: {  	[tilespmem:s12+$0xE0] =	vst v1  }
0xae: {  	s0 =	sadd.s32 s2, s0;
	[tilespmem:s12+$0x0] =	vst v2  }
0xaf: {  	[hbm4b:s0+s3] =	stream.linear.scatter [tilespmem:s17], [sflag:$0x7], $0x3200, $0x38;
	[tilespmem:$0x13000] =	vst v63  }
0xb0: {  	s0 =	simm.s32 @!p0 $0x6  }
0xb1: {  	_ =	swait.ge @!p0 [sflag:s0], $0x3200  }
0xb2: {  	s13 =	simm.s32 @!p0 $0x9A00;
	[sflag:s0] =	ssyncset.done @!p0 $0x0  }
0xb3: {  	s12 =	simm.s32 @!p0 $0x64;
	[sflag:s0] =	ssyncadd.s32 @!p0 $0xFFFFCE00;
	s0 =	sadd.s32 @!p0 $0x410, s11  }
0xb4: {  	[tilespmem:s13], [sflag:$0x2] =	stream.indirect.gather @!p0 [hbm4b:s4+s12], $0x40, s0, s12, $0xb8;
	[tilespmem:$0x13000] =	vst v63  }
0xb5: {  	s0 =	sadd.s32 @!p0 $0x478, s11;
	s11 =	simm.s32 @!p0 $0xB300  }
0xb6: {  	[tilespmem:s11], [sflag:$0x2] =	stream.indirect.gather @!p0 [hbm4b:s4+s12], $0x40, s0, s12, $0xb8;
	[tilespmem:$0x13000] =	vst v63  }
0xb7: {  	_ =	swait.ge [sflag:s24], $0x3200  }
0xb8: {  	[sflag:s24] =	ssyncset.done $0x0  }
0xb9: {  	s0 =	simm.s32 $0xFE00;
	[sflag:s24] =	ssyncadd.s32 $0xFFFFCE00  }
0xba: {  	v0 =	vld [tilespmem:s0+$0xF0]  }
0xbb: {  	v1 =	vld [tilespmem:s0+$0x10]  }
0xbc: {  	v2 =	vld [tilespmem:s0+$0x20]  }
0xbd: {  	v3 =	vld [tilespmem:s0+$0x30]  }
0xbe: {  	v4 =	vld [tilespmem:s0+$0x40]  }
0xbf: {  	v5 =	vld [tilespmem:s0+$0x50];
	v0 =	vmul.f32 $8.000000000e+00, v0  }
0xc0: {  	v6 =	vld [tilespmem:s0+$0x60];
	v1 =	vmul.f32 $8.000000000e+00, v1  }
0xc1: {  	v7 =	vld [tilespmem:s0+$0x70];
	v2 =	vmul.f32 $8.000000000e+00, v2;
	[tilespmem:s0+$0xF0] =	vst v0  }
0xc2: {  	[tilespmem:s0+$0x10] =	vst v1;
	v0 =	vmul.f32 $8.000000000e+00, v3;
	v3 =	vld [tilespmem:s0+$0x80]  }
0xc3: {  	[tilespmem:s0+$0x20] =	vst v2;
	v1 =	vmul.f32 $8.000000000e+00, v4;
	v4 =	vld [tilespmem:s0+$0x90]  }
0xc4: {  	v8 =	vld [tilespmem:s0+$0xA0];
	v2 =	vmul.f32 $8.000000000e+00, v5;
	[tilespmem:s0+$0x30] =	vst v0  }
0xc5: {  	v5 =	vmul.f32 $8.000000000e+00, v6;
	[tilespmem:s0+$0x40] =	vst v1;
	v0 =	vld [tilespmem:s0+$0xB0]  }
0xc6: {  	v6 =	vmul.f32 $8.000000000e+00, v7;
	[tilespmem:s0+$0x50] =	vst v2;
	v1 =	vld [tilespmem:s0+$0xC0]  }
0xc7: {  	[tilespmem:s0+$0x60] =	vst v5;
	v2 =	vld [tilespmem:s0+$0xD0];
	v7 =	vmul.f32 $8.000000000e+00, v3  }
0xc8: {  	[tilespmem:s0+$0x70] =	vst v6;
	v3 =	vld [tilespmem:s0+$0xE0];
	v5 =	vmul.f32 $8.000000000e+00, v4  }
0xc9: {  	s11 =	simm.s32 $0x0;
	s12 =	simm.s32 $0xFF00;
	v6 =	vmul.f32 $8.000000000e+00, v8;
	v4 =	vld [tilespmem:s0+$0x0];
	[tilespmem:s0+$0x80] =	vst v7  }
.LBB2_9:
0xca: {  	v7 =	vld [tilespmem:s12+$0xF0];
	s11 =	sadd.s32 $0x4, s11;
	[tilespmem:s0+$0x90] =	vst v5;
	v0 =	vmul.f32 $8.000000000e+00, v0  }
0xcb: {  	v5 =	vld [tilespmem:s12+$0x10];
	p0 =	slt.u32 s11, $0xC4;
	[tilespmem:s0+$0xA0] =	vst v6;
	v1 =	vmul.f32 $8.000000000e+00, v1  }
0xcc: {  	v6 =	vld [tilespmem:s12+$0x20];
	[tilespmem:s0+$0xB0] =	vst v0;
	v0 =	vmul.f32 $8.000000000e+00, v2  }
0xcd: {  	v2 =	vld [tilespmem:s12+$0x30];
	[tilespmem:s0+$0xC0] =	vst v1;
	v1 =	vmul.f32 $8.000000000e+00, v3  }
0xce: {  	v3 =	vld [tilespmem:s12+$0x40];
	v4 =	vmul.f32 $8.000000000e+00, v4;
	[tilespmem:s0+$0xD0] =	vst v0  }
0xcf: {  	v0 =	vld [tilespmem:s12+$0x50];
	v7 =	vmul.f32 $8.000000000e+00, v7;
	[tilespmem:s0+$0xE0] =	vst v1  }
0xd0: {  	v1 =	vmul.f32 $8.000000000e+00, v5;
	v5 =	vld [tilespmem:s12+$0x60];
	[tilespmem:s0+$0x0] =	vst v4;
	s0 =	smov.u32 s12  }
0xd1: {  	v4 =	vmul.f32 $8.000000000e+00, v6;
	v6 =	vld [tilespmem:s12+$0x70];
	[tilespmem:s12+$0xF0] =	vst v7  }
0xd2: {  	[tilespmem:s12+$0x10] =	vst v1;
	v1 =	vmul.f32 $8.000000000e+00, v2;
	v2 =	vld [tilespmem:s12+$0x80]  }
0xd3: {  	[tilespmem:s12+$0x20] =	vst v4;
	v3 =	vmul.f32 $8.000000000e+00, v3;
	v4 =	vld [tilespmem:s12+$0x90]  }
0xd4: {  	[tilespmem:s12+$0x30] =	vst v1;
	v1 =	vmul.f32 $8.000000000e+00, v0;
	v7 =	vld [tilespmem:s12+$0xA0]  }
.Ltmp3:
0xd5: {  	[tilespmem:s12+$0x40] =	vst v3;
	v3 =	vmul.f32 $8.000000000e+00, v5;
	v0 =	vld [tilespmem:s12+$0xB0];
	(pc) =	sbr.rel @p0 .LBB2_9-.Ltmp3, $4  }
0xd6: {  	[tilespmem:s12+$0x50] =	vst v1;
	v5 =	vmul.f32 $8.000000000e+00, v6;
	v1 =	vld [tilespmem:s12+$0xC0]  }
0xd7: {  	[tilespmem:s12+$0x60] =	vst v3;
	v6 =	vmul.f32 $8.000000000e+00, v2;
	v2 =	vld [tilespmem:s12+$0xD0]  }
0xd8: {  	[tilespmem:s12+$0x70] =	vst v5;
	v5 =	vmul.f32 $8.000000000e+00, v4;
	v3 =	vld [tilespmem:s12+$0xE0]  }
0xd9: {  	s12 =	sadd.s32 $0x100, s12;
	v4 =	vld [tilespmem:s0+$0x0];
	[tilespmem:s0+$0x80] =	vst v6;
	v6 =	vmul.f32 $8.000000000e+00, v7  }
0xda: {  	[tilespmem:s0+$0x90] =	vst v5;
	v0 =	vmul.f32 $8.000000000e+00, v0  }
0xdb: {  	s31 =	sadd.s32 $0x1, s31;
	[tilespmem:s0+$0xA0] =	vst v6;
	v1 =	vmul.f32 $8.000000000e+00, v1  }
0xdc: {  	p0 =	sne.s32 s31, $0x20;
	[tilespmem:s0+$0xB0] =	vst v0;
	v61 =	vmul.f32 $8.000000000e+00, v2  }
.Ltmp4:
0xdd: {  	s1 =	sadd.s32 s5, s1;
	[tilespmem:s0+$0xC0] =	vst v1;
	v62 =	vmul.f32 $8.000000000e+00, v3;
	(pc) =	sbr.rel @p0 .LBB2_2-.Ltmp4, $4  }
0xde: {  	s1 =	smul.u32 $0x640, s1;
	v63 =	vmul.f32 $8.000000000e+00, v4;
	[tilespmem:s0+$0xD0] =	vst v61  }
0xdf: {  	[tilespmem:s0+$0xE0] =	vst v62  }
0xe0: {  	s15 =	sadd.s32 s2, s1;
	[tilespmem:s0+$0x0] =	vst v63  }
0xe1: {  	[hbm4b:s15+s3] =	stream.linear.scatter [tilespmem:s20], [sflag:$0x8], $0x3200, $0x38;
	[tilespmem:$0x13000] =	vst v63  }
0xe2: {  	_ =	swait.ge [sflag:s25], $0x3200  }
0xe3: {  	[sflag:s25] =	ssyncset.done $0x0  }
0xe4: {  	[sflag:s25] =	ssyncadd.s32 $0xFFFFCE00  }
0xe5: {  	_ =	swait.ge [sflag:s26], $0x3200  }
0xe6: {  	[sflag:s26] =	ssyncset.done $0x0  }
0xe7: {  	s30 =	sadd.s32 $0x1, s30;
	[sflag:s26] =	ssyncadd.s32 $0xFFFFCE00  }
0xe8: {  	p0 =	sne.s32 s30, s7;
	_ =	swait.ge [sflag:s28], $0x3200  }
.Ltmp5:
0xe9: {  	[sflag:s28] =	ssyncset.done $0x0;
	(pc) =	sbr.rel @p0 .LBB2_1-.Ltmp5, $4  }
0xea: {  	[sflag:s28] =	ssyncadd.s32 $0xFFFFCE00  }
0xeb: {  	_ =	swait.ge [sflag:s29], $0x3200  }
0xec: {  	[sflag:s29] =	ssyncset.done $0x0  }
0xed: {  	[sflag:s29] =	ssyncadd.s32 $0xFFFFCE00  }
0xee: {  	_ =	sfence.sel $0x180000  }
0xef: {  	[bflag:$0x0] =	sbarrier.arrive $0xFFFF  }
0xf0: {  	_ =	strace $0x90000047  }
0xf1: {  	s0 =	stileid.u32;
	[bflag:$0x2] =	sbarrier.arrive $0xFFFF  }
0xf2: {  	p0 =	sne.s32 s0, $0x0;
	s0 =	rddreg [dreg:$0x2]  }
0xf3: {  	s0 =	sadd.s32 @!p0 $0x100000, s0  }
0xf4: {  	[sflag:s0] =	ssyncadd.tile.s32 @!p0 $0x1;
	_ =	shalt  }
.Lfunc_end2:
_tile_overlayer_lowered:
.L_overlay_start_2:
0xf5: {  	(tag) =	ssettag $0x2  }
0xf6: {  	s0 =	rddreg [dreg:$0x0];
	s2 =	stileid.u32  }
0xf7: {  	s1 =	rddreg [dreg:$0x1];
	p0 =	sne.s32 s2, $0x0  }
0xf8: {  	s3 =	rddreg [dreg:$0x2];
	[bflag:$0x3] =	sbarrier.arrive $0xFFFF;
	s2 =	simm.s32 @!p0 $0x1C09  }
0xf9: {  	[timem:s3], [sflag:s2] =	dma.local @!p0 [hbm:s0], s1  }
0xfa: {  	s0 =	simm.s32 @!p0 $0x9  }
0xfb: {  	_ =	swait.ge @!p0 [sflag:s0], s1  }
0xfc: {  	s1 =	ssub.s32 @!p0 $0x0, s1;
	[sflag:s0] =	ssyncset.done @!p0 $0x0  }
0xfd: {  	[sflag:s0] =	ssyncadd.s32 @!p0 s1  }
0xfe: {  	[bflag:$0x3] =	sbarrier.arrive $0xFFFF  }
0xff: {  	_ =	shalt  }

// kernel: sparse-core-data-format-call.cloned.1.call-start
scs
called_computation_lowered:
.L_overlay_start_0:
0x0: {  	s2 =	sld [smem:$0x3FD9]  }
0x1: {  	s3 =	sld [smem:$0x3FFE];
	_ =	sdelay $0x1  }
0x2: {  	s1 =	srdreg.scid  }
0x3: {  	s0 =	sand.u32 $0x1, s1  }
0x4: {  	s18 =	sshll.u32 s0, $0xA;
	s2 =	sadd.s32 s3, s2  }
0x5: {  	s2 =	sadd.s32 s2, s18  }
0x6: {  	[smem:$0x3FC6] =	sst s2  }
0x7: {  	_ = 	snop  }
0x8: {  	s2 =	sld [smem:$0x3FD0];
	(tm) =	ssettm $0x1  }
0x9: {  	s19 =	sld [smem:$0x3FFB];
	_ =	sdelay $0x3  }
0xa: {  	_ =	strace s19  }
0xb: {  	s3 =	sld [smem:$0x3FFC];
	_ =	sdelay $0x3  }
0xc: {  	_ =	strace s3  }
0xd: {  	s3 =	sld [smem:$0x3FFD];
	_ =	sdelay $0x3  }
0xe: {  	_ =	strace s3  }
0xf: {  	_ =	strace $0x8FFFFFFF  }
0x10: {  	s20 =	sld [smem:$0x3FDB];
	_ =	sdelay $0x1  }
0x11: {  	s4 =	simm.s32 $_scs_section_size  }
0x12: {  	s5 =	simm.s32 $_size__tile_overlayer_lowered;
	s6 =	simm.s32 $_tile_overlayer_lowered  }
0x13: {  	s23 =	simm.s32 $0x1BFF;
	s22 =	sshll.u32 s6, $0x1;
	s3 =	sadd.s32 s4, s20  }
0x14: {  	s7 =	simm.s32 $0x0;
	s21 =	sshll.u32 s5, $0x1;
	s5 =	sadd.s32 s22, s3  }
0x15: {  	[timem:s7], [sflag:s23] =	dma.local [hbm:s5], s21  }
0x16: {  	_ =	swait.ge [sflag:s23], s21  }
0x17: {  	s4 =	ssub.s32 $0x0, s21;
	[sflag:s23] =	ssyncset.done $0x0  }
0x18: {  	[sflag:s23] =	ssyncadd.s32 s4;
	_ =	sdelay $0x1  }
0x19: {  	s24 =	simm.s32 $0x1B8B  }
0x1a: {  	_ =	swait.ge [sflag:s24], $0x1  }
0x1b: {  	[sflag:s24] =	ssyncset.done $0x0  }
0x1c: {  	s26 =	simm.s32 $0x1B8E;
	s25 =	sld [smem:$0x3FFE];
	[sflag:s24] =	ssyncadd.s32 $0xFFFFFFFF  }
0x1d: {  	s27 =	simm.s32 $execute0_lowered;
	[smem:$0x3FD2] =	sst s26  }
0x1e: {  	s5 =	sshll.u32 s27, $0x1;
	_ =	strace $0x80000049;
	[dreg:$0x1] =	wrdreg $0xFFFFFFFF  }
0x1f: {  	s28 =	simm.s32 $_size_execute0_lowered;
	s3 =	sadd.s32 s3, s5;
	[dreg:$0x0] =	wrdreg $0x0  }
0x20: {  	s5 =	sshll.u32 s28, $0x1;
	[dreg:$0x2] =	wrdreg s3  }
0x21: {  	[dreg:$0x3] =	wrdreg s5  }
0x22: {  	[dreg:$0x4] =	wrdreg $0xC0  }
0x23: {  	_ =	task [dreg:s7], $0x5FFFF  }
0x24: {  	[dreg:$0x1] =	wrdreg $0xFFFFFFFF  }
0x25: {  	[dreg:$0x0] =	wrdreg $0x60  }
0x26: {  	[dreg:$0x2] =	wrdreg s25  }
0x27: {  	[dreg:$0x3] =	wrdreg s2  }
0x28: {  	[dreg:$0x4] =	wrdreg $0x9  }
0x29: {  	_ =	task.clear_ibuf [dreg:s7], $0x5FFFF;
	_ =	strace $0x90000049  }
0x2a: {  	s29 =	simm.s32 $0x9;
	_ =	strace $0x8000004B  }
0x2b: {  	_ =	swait.ge [sflag:s29], $0x1  }
0x2c: {  	[sflag:s29] =	ssyncadd.s32 $0xFFFFFFFF  }
0x2d: {  	_ =	strace $0x9000004B  }
0x2e: {  	_ =	sfence  }
0x2f: {  	s30 =	sld [smem:$0x0];
	_ =	sdelay $0x2  }
0x30: {  	s31 =	sshll.u32 s1, $0xD;
	s1 =	sshrl.u32 s1, $0x2  }
0x31: {  	s3 =	sand.u32 $0x4000, s31;
	s1 =	sadd.s32 s1, s30  }
0x32: {  	s0 =	sor.u32 s3, s0;
	s1 =	sshll.u32 s1, $0x11  }
0x33: {  	s0 =	sor.u32 s1, s0  }
0x34: {  	s0 =	sadd.s32 $0x8F2B, s0  }
0x35: {  	[sflag:s0] =	ssyncadd.remote.s32 $0x1  }
0x36: {  	_ =	sfence.sel $0xFFFF  }
0x37: {  	[dreg:$0x0] =	wrdreg $0xFFFFFFFF;
	(pc) =	sbr.abs _section_cstart, $3  }
0x38: {  	[dreg:$0x1] =	wrdreg $0xFFFFFFFF  }
0x39: {  	_ =	task.clear_ibuf [dreg:s7], $0x2FFFF;
	_ =	strace $0x9FFFFFFF  }
0x3a: {  	(tm) =	ssettm $0x7FFFFFFF  }
0x3b: {  	_ =	shalt  }
tec
execute0_lowered:
.L_overlay_start_1:
0x0: {  	(tag) =	ssettag $0x1  }
0x1: {  	s0 =	srdreg.scid  }
0x2: {  	s1 =	sshll.u32 s0, $0x4  }
0x3: {  	s0 =	stileid.u32;
	s1 =	sand.u32 $0x10, s1  }
0x4: {  	s1 =	sor.u32 s0, s1  }
0x5: {  	s6 =	rddreg [dreg:$0x0];
	s4 =	simm.s32 $0x1;
	s2 =	sshll.u32 s1, $0x7  }
0x6: {  	s7 =	simm.s32 $0x2;
	s12 =	simm.s32 $0x0;
	s1 =	ssub.s32 $0x1000, s2  }
0x7: {  	s8 =	simm.s32 $0x8000;
	s13 =	simm.s32 $0x0;
	s3 =	sand.u32 $0xF80, s1  }
0x8: {  	s9 =	simm.s32 $0x0;
	s5 =	sshrl.u32 s1, $0xC;
	p0 =	sne.s32 s3, $0x0  }
.Ltmp0:
0x9: {  	s1 =	rddreg [dreg:$0x2];
	s4 =	simm.s32 @!p0 $0x0;
	(pc) =	sbr.rel .LBB1_1-.Ltmp0, $4  }
0xa: {  	s11 =	simm.s32 $0x0;
	s3 =	rddreg [dreg:$0x1];
	s5 =	sadd.s32 s4, s5  }
0xb: {  	_ =	strace $0x8000004A;
	s4 =	simm.s32 $0x1;
	s5 =	smul.u32 $0xC8, s5  }
0xc: {  	s6 =	sadd.s32 $0xA00, s6;
	s10 =	smov.u32 s2;
	[sflag:s4] =	ssyncpa.u1 $0x0  }
0xd: {  	p0 =	por $0x0, $0x0;
	[sflag:s7] =	ssyncpa.u1 $0x0;
	s7 =	sor.u32 $0x1, s5  }
.LBB1_4:
0xe: {  	s16 =	sshll.u32 s13, $0x3;
	s17 =	sand.u32 $0x78, s13  }
0xf: {  	s30 =	sand.u32 $0x7E00, s13;
	s12 =	sshll.u32 s12, $0xF;
	s16 =	sand.u32 $0xC00, s16  }
0x10: {  	[tilespmem:s15+$0x810 ss:$0x81] =	vst.msk $0xffff, v2;
	s31 =	sand.u32 $0x7, s13;
	s16 =	sor.u32 s17, s16;
	s17 =	sadd.s32 s3, s30  }
0x11: {  	[tilespmem:s15+$0x1020 ss:$0x81] =	vst.msk $0xffff, v0;
	s13 =	sshll.u32 s31, $0x12;
	s12 =	sadd.s32 s12, s17;
	s16 =	sshrl.u32 s16, $0x3  }
0x12: {  	[tilespmem:s15+$0x0 ss:$0x81] =	vst.msk $0xffff, v1;
	s13 =	sor.u32 $0x400, s13;
	s12 =	sadd.s32 s16, s12  }
0x13: {  	[hbm4b:s12+s13] =	stream.strided.scatter [tilespmem:s14], [sflag:$0x2], $0x2000, s8, s13, $0x20;
	[tilespmem:$0x8080] =	vst v63  }
.LBB1_5:
0x14: {  	s14 =	sadd.s32 $0x1, s9  }
0x15: {  	s12 =	sadd.s32 $0x1000, s10;
	s16 =	smov.u32 s10;
	p2 =	sgt.s32 s14, $0xC7  }
0x16: {  	s16 =	smov.u32 @p2 s12  }
0x17: {  	s14 =	simm.s32 @p2 $0x0;
	p2 =	sgt.s32 s16, $0xFFF  }
0x18: {  	s16 =	smov.u32 @p2 s2;
	p2 =	sne.s32 s11, s7  }
.Ltmp1:
0x19: {  	p1 =	slt.u32 s11, $0x2;
	(pc) =	sbr.rel @!p2 .LBB1_6-.Ltmp1, $4  }
0x1a: {  	s15 =	simm.s32 @!p1 $0x2  }
0x1b: {  	s13 =	smov.u32 s10;
	p0 =	por !p0, !p0;
	_ =	swait.ge @!p1 [sflag:s15], $0x2000  }
0x1c: {  	s12 =	smov.u32 s9;
	[sflag:s15] =	ssyncset.done @!p1 $0x0;
	s9 =	smov.u32 s14  }
0x1d: {  	s11 =	sadd.s32 $0x1, s11;
	[sflag:s15] =	ssyncadd.s32 @!p1 $0xFFFFE000;
	s10 =	smov.u32 s16  }
.LBB1_1:
0x1e: {  	p1 =	sge.u32 s11, s5  }
0x1f: {  	s14 =	sand.u32 @!p1 $0x1FFFFFF, s9  }
0x20: {  	s15 =	smulhi.u32 @!p1 $0x147AE15, s14;
	_ =	sdelay $0x1  }
0x21: {  	s15 =	smul.u32 @!p1 $0xC8, s15  }
0x22: {  	s16 =	sxor.u32 @!p1 $0xFFFFFFFF, s11;
	s17 =	smul.u32 @!p1 $0xC80, s10  }
0x23: {  	s31 =	sadd.s32 $0xFFFFFFFF, s11;
	s16 =	sshll.u32 @!p1 s16, $0xD;
	s14 =	ssub.s32 @!p1 s14, s15  }
0x24: {  	s15 =	sand.u32 @!p1 $0x2000, s16;
	s16 =	sadd.s32 @!p1 s6, s17;
	s14 =	sshll.u32 @!p1 s14, $0x4  }
0x25: {  	s17 =	simm.s32 @!p1 $0x6400;
	s14 =	sadd.s32 @!p1 s14, s16;
	s16 =	simm.s32 @!p1 $0x40  }
0x26: {  	[tilespmem:s15], [sflag:$0x1] =	stream.strided.gather @!p1 [hbm4b:s14+s16], $0x2000, s17, s16, $0x38;
	[tilespmem:$0x8080] =	vst v63  }
0x27: {  	p1 =	sge.u32 s31, s5  }
.Ltmp2:
0x28: {  	_ = 	snop;
	(pc) =	sbr.rel @p1 .LBB1_5-.Ltmp2, $1  }
0x29: {  	_ =	sdelay $0x3  }
0x2a: {  	s14 =	simm.s32 $0x1  }
0x2b: {  	_ =	swait.ge [sflag:s4], $0x2000;
	s14 =	simm.s32 @!p0 $0x0  }
0x2c: {  	[sflag:s4] =	ssyncset.done $0x0;
	s15 =	sshll.u32 s14, $0xD  }
0x2d: {  	[sflag:s4] =	ssyncadd.s32 $0xFFFFE000;
	s18 =	sor.u32 $0x20, s15  }
0x2e: {  	s14 =	smul.u32 $0x8100, s14;
	v3 =	vld [tilespmem:s18+$0x10]  }
0x2f: {  	s30 =	sand.u32 $0x1, s11;
	v2 =	vld [tilespmem:s18+$0xFFFFFFF0]  }
0x30: {  	s15 =	smul.u32 $0x8100, s30;
	s14 =	sshrl.u32 s14, $0x2;
	v0 =	vld [tilespmem:s18+$0x0]  }
0x31: {  	v1 =	vld [tilespmem:s18+$0xFFFFFFE0];
	s16 =	sor.u32 $0x4000, s14  }
0x32: {  	s31 =	sshrl.u32 s15, $0x2;
	s15 =	sadd.s32 $0x0, s16  }
0x33: {  	s17 =	simm.s32 $0x4;
	s18 =	sadd.s32 $0x40, s18;
	s14 =	sor.u32 $0x4000, s31;
	[tilespmem:s15+$0x1830 ss:$0x81] =	vst.msk $0xffff, v3  }
.LBB1_3:
0x34: {  	v3 =	vld [tilespmem:s18+$0x10];
	p1 =	sne.s32 s17, $0x1FC;
	[tilespmem:s15+$0x810 ss:$0x81] =	vst.msk $0xffff, v2;
	s19 =	smov.u32 s17;
	s17 =	sadd.s32 $0x4, s17  }
.Ltmp3:
0x35: {  	v2 =	vld [tilespmem:s18+$0xFFFFFFF0];
	[tilespmem:s15+$0x1020 ss:$0x81] =	vst.msk $0xffff, v0;
	(pc) =	sbr.rel @p1 .LBB1_3-.Ltmp3, $4  }
0x36: {  	v0 =	vld [tilespmem:s18+$0x0];
	[tilespmem:s15+$0x0 ss:$0x81] =	vst.msk $0xffff, v1  }
0x37: {  	s15 =	sshra.s32 s19, $0x2;
	v1 =	vld [tilespmem:s18+$0xFFFFFFE0]  }
0x38: {  	s15 =	sadd.s32 s15, s16  }
0x39: {  	s18 =	sadd.s32 $0x40, s18;
	[tilespmem:s15+$0x1830 ss:$0x81] =	vst.msk $0xffff, v3  }
.Ltmp4:
0x3a: {  	_ = 	snop;
	(pc) =	sbr.rel .LBB1_4-.Ltmp4, $1  }
0x3b: {  	_ =	sdelay $0x3  }
.LBB1_6:
0x3c: {  	_ =	sfence.sel $0x180000  }
0x3d: {  	s2 =	simm.s32 $0x1;
	[bflag:$0x0] =	sbarrier.arrive $0xFFFF  }
0x3e: {  	s31 =	simm.s32 $0x2;
	[sflag:s2] =	ssyncpa.u1 $0x1  }
0x3f: {  	[sflag:s31] =	ssyncpa.u1 $0x1  }
0x40: {  	p0 =	sne.s32 s0, $0x0;
	_ =	strace $0x9000004A  }
0x41: {  	s0 =	sadd.s32 @!p0 $0x100000, s1;
	[bflag:$0x2] =	sbarrier.arrive $0xFFFF  }
0x42: {  	[sflag:s0] =	ssyncadd.tile.s32 @!p0 $0x1;
	_ =	shalt  }
.Lfunc_end1:
_tile_overlayer_lowered:
.L_overlay_start_2:
0x43: {  	(tag) =	ssettag $0x2  }
0x44: {  	s0 =	rddreg [dreg:$0x0];
	s2 =	stileid.u32  }
0x45: {  	s1 =	rddreg [dreg:$0x1];
	p0 =	sne.s32 s2, $0x0  }
0x46: {  	s3 =	rddreg [dreg:$0x2];
	[bflag:$0x3] =	sbarrier.arrive $0xFFFF;
	s2 =	simm.s32 @!p0 $0x1C01  }
0x47: {  	[timem:s3], [sflag:s2] =	dma.local @!p0 [hbm:s0], s1  }
0x48: {  	s0 =	simm.s32 @!p0 $0x1  }
0x49: {  	_ =	swait.ge @!p0 [sflag:s0], s1  }
0x4a: {  	s1 =	ssub.s32 @!p0 $0x0, s1;
	[sflag:s0] =	ssyncset.done @!p0 $0x0  }
0x4b: {  	[sflag:s0] =	ssyncadd.s32 @!p0 s1  }
0x4c: {  	[bflag:$0x3] =	sbarrier.arrive $0xFFFF  }
0x4d: {  	_ =	shalt  }

</sc_bundles>
